<compile_context>
chip_gen: v7x
topology: tpu7x:2x2x1
jax: 0.10.2.dev20260603
libtpu: 0.0.44.dev20260713+nightly
codegen_flags: <defaults>
</compile_context>

<pallas_src>
import functools

import jax
import jax.numpy as jnp
from jax import lax
from jax.experimental import pallas as pl
from jax.experimental.pallas import tpu as pltpu
from jax.experimental.pallas import tpu_sc as plsc

D = 64
B = 4096
S = 200
NT = 10

NC = 2
NS = 16
NW = NC * NS
B_PER_W = B // NW
NB = 4
N_IT = B_PER_W // NB
CHUNK = NB * S
SPLITS = ((8, 96), (104, 96))


@functools.partial(
    pl.kernel,
    out_type=jax.ShapeDtypeStruct((B * S, D), jnp.float32),
    mesh=plsc.VectorSubcoreMesh(core_axis_name="c", subcore_axis_name="s"),
    compiler_params=pltpu.CompilerParams(use_tc_tiling_on_sc=False),
    scratch_types=[
        pltpu.VMEM((CHUNK,), jnp.int32),
        pltpu.VMEM((CHUNK,), jnp.int32),
        pltpu.VMEM((CHUNK, D), jnp.float32),
        pltpu.VMEM((CHUNK, D), jnp.float32),
        pltpu.VMEM((16, D), jnp.float32),
        pltpu.SemaphoreType.DMA,
        pltpu.SemaphoreType.DMA,
        pltpu.SemaphoreType.DMA,
        pltpu.SemaphoreType.DMA,
        pltpu.SemaphoreType.DMA,
        pltpu.SemaphoreType.DMA,
    ],
)
def _soft_embed(tokens_hbm, wte_hbm, learned_hbm, out_hbm,
                idx0, idx1, row0, row1, learned_v,
                si0, si1, sg0, sg1, so0, so1):
    idx = (idx0, idx1)
    row = (row0, row1)
    sem_i = (si0, si1)
    sem_g = (sg0, sg1)
    sem_o = (so0, so1)

    wid = lax.axis_index("s") * NC + lax.axis_index("c")
    base = wid * B_PER_W

    pltpu.sync_copy(learned_hbm, learned_v.at[pl.ds(0, NT)])
    for s in range(2):
        for j in range(NB):
            pltpu.sync_copy(learned_hbm.at[pl.ds(0, 8)],
                            row[s].at[pl.ds(j * S, 8)])

    def start_idx(it, s):
        cb = base + it * NB
        pltpu.async_copy(tokens_hbm.at[pl.ds(cb * S, CHUNK)], idx[s], sem_i[s])

    for s in range(2):
        start_idx(s, s)

    def body(k, carry):
        i0 = k * 2
        for s in range(2):
            it = i0 + s
            cb = base + it * NB
            pltpu.make_async_copy(tokens_hbm.at[pl.ds(0, CHUNK)],
                                  idx[s], sem_i[s]).wait()
            @pl.when(it >= 2)
            def _():
                pltpu.make_async_copy(row[s], out_hbm.at[pl.ds(0, CHUNK)],
                                      sem_o[s]).wait()
            for j in range(NB):
                for off, ln in SPLITS:
                    pltpu.async_copy(
                        wte_hbm.at[idx[s].at[pl.ds(j * S + off, ln)]],
                        row[s].at[pl.ds(j * S + off, ln)], sem_g[s])
            for j in range(NB):
                pltpu.make_async_copy(wte_hbm.at[pl.ds(0, 192)],
                                      row[s].at[pl.ds(j * S + 8, 192)],
                                      sem_g[s]).wait()
            @pl.when(it + 2 < N_IT)
            def _():
                start_idx(it + 2, s)
            for j in range(NB):
                for r in range(8, NT):
                    for c in range(0, D, 16):
                        row[s][j * S + r, pl.ds(c, 16)] = \
                            learned_v[r, pl.ds(c, 16)]
            pltpu.async_copy(row[s], out_hbm.at[pl.ds(cb * S, CHUNK)],
                             sem_o[s])
        return carry

    lax.fori_loop(0, N_IT // 2, body, 0)

    for s in range(2):
        pltpu.make_async_copy(row[s], out_hbm.at[pl.ds(0, CHUNK)],
                              sem_o[s]).wait()


def kernel(tokens, wte_weight, learned_embedding):
    out = _soft_embed(tokens.reshape(B * S), wte_weight, learned_embedding)
    return out.reshape(B, S, D)

# --- scband reference (transcript-rebuilt; emitter-appended) ---
"""Pipeline reference for scband-soft-embedding-27230092656940 (READ-ONLY COPY).

The authoritative reference and input builder live on the scoring server;
editing this copy changes nothing except your own understanding.
"""

import jax, jax.numpy as jnp
import numpy as np

VOCAB = 1000000
EMBED_DIM = 64
BATCH = 4096
SEQ_LEN = 200
N_TOKENS = 10

def setup_inputs(seed: int = 0) -> dict:
    key = jax.random.key(seed)
    k1, k2, k3 = jax.random.split(key, 3)
    tokens = jax.random.randint(k1, (BATCH, SEQ_LEN), 0, VOCAB, dtype=jnp.int64 if jax.config.jax_enable_x64 else jnp.int32).astype(jnp.int32)
    wte_weight = jax.random.normal(k2, (VOCAB, EMBED_DIM), dtype=jnp.float32)
    # initialize_from_vocab=True -> learned embedding initialized as copy of first n_tokens rows
    learned_embedding = wte_weight[:N_TOKENS].copy()
    return {"tokens": tokens, "wte_weight": wte_weight, "learned_embedding": learned_embedding}

def reference(tokens, wte_weight, learned_embedding):
    # input_embedding = self.wte(tokens[:, self.n_tokens:])
    input_embedding = jnp.take(wte_weight, tokens[:, N_TOKENS:], axis=0)
    # learned_embedding.repeat(B, 1, 1)
    learned = jnp.broadcast_to(learned_embedding[None, :, :], (input_embedding.shape[0], N_TOKENS, EMBED_DIM))
    return jnp.concatenate([learned, input_embedding], axis=1)

if __name__ == "__main__":
    import jax
    _d = setup_inputs()
    print(jax.jit(kernel)(*tuple(_d.values())))

</pallas_src>

<mosaic_0001>
#map = affine_map<(d0, d1) -> (0)>
#map1 = affine_map<(d0, d1) -> (0, 0)>
module attributes {stable_mosaic.version = 14 : i64} {
  func.func @_soft_embed(%arg0: i32, %arg1: i32, %arg2: memref<819200xi32, #tpu.memory_space<hbm>>, %arg3: memref<1000000x64xf32, #tpu.memory_space<hbm>>, %arg4: memref<10x64xf32, #tpu.memory_space<hbm>>, %arg5: memref<819200x64xf32, #tpu.memory_space<hbm>>, %arg6: memref<800xi32, #tpu.memory_space<vmem>>, %arg7: memref<800xi32, #tpu.memory_space<vmem>>, %arg8: memref<800x64xf32, #tpu.memory_space<vmem>>, %arg9: memref<800x64xf32, #tpu.memory_space<vmem>>, %arg10: memref<16x64xf32, #tpu.memory_space<vmem>>, %arg11: memref<!tpu.dma_semaphore, #tpu.memory_space<semaphore_mem>>, %arg12: memref<!tpu.dma_semaphore, #tpu.memory_space<semaphore_mem>>, %arg13: memref<!tpu.dma_semaphore, #tpu.memory_space<semaphore_mem>>, %arg14: memref<!tpu.dma_semaphore, #tpu.memory_space<semaphore_mem>>, %arg15: memref<!tpu.dma_semaphore, #tpu.memory_space<semaphore_mem>>, %arg16: memref<!tpu.dma_semaphore, #tpu.memory_space<semaphore_mem>>) attributes {dimension_semantics = [#tpu.dimension_semantics<core_parallel>, #tpu.dimension_semantics<subcore_parallel>], iteration_bounds = array<i64: 2, 16>, scalar_prefetch = 0 : i64, scratch_operands = 11 : i64, tpu.core_type = #tpu.core_type<sc_vector_subcore>, window_params = [{transform_indices = #map}, {transform_indices = #map1}, {transform_indices = #map1}, {transform_indices = #map1}]} {
    %mul3A = arith.constant 2 : i32
    %mul3A_0 = arith.muli %arg1, %mul3A : i32
    %add3A = arith.addi %mul3A_0, %arg0 : i32
    %mul3A_1 = arith.constant 128 : i32
    %mul3A_2 = arith.muli %add3A, %mul3A_1 : i32
    "tpu.region"() ({
      %run_scoped3A = tpu.sem_alloc : memref<!tpu.dma_semaphore, #tpu.memory_space<semaphore_mem>>
      %dma_start3A_30 = arith.constant 0 : i32
      %dma_start3A_31 = arith.constant 0 : i32
      %dma_start3A_32 = tpu.memref_slice %arg10[%dma_start3A_30, %dma_start3A_31] : memref<16x64xf32, #tpu.memory_space<vmem>> -> memref<10x64xf32, #tpu.memory_space<vmem>>
      %dma_start3A_33 = arith.constant 0 : i32
      %dma_start3A_34 = arith.constant 0 : i32
      %dma_start3A_35 = tpu.memref_slice %arg10[%dma_start3A_33, %dma_start3A_34] : memref<16x64xf32, #tpu.memory_space<vmem>> -> memref<10x64xf32, #tpu.memory_space<vmem>>
      tpu.enqueue_dma source(%arg4 : memref<10x64xf32, #tpu.memory_space<hbm>>) target(%dma_start3A_35 : memref<10x64xf32, #tpu.memory_space<vmem>>) target_semaphore(%run_scoped3A : memref<!tpu.dma_semaphore, #tpu.memory_space<semaphore_mem>>)
      %dma_wait3A_36 = arith.constant 0 : i32
      %dma_wait3A_37 = arith.constant 0 : i32
      %dma_wait3A_38 = tpu.memref_slice %arg10[%dma_wait3A_36, %dma_wait3A_37] : memref<16x64xf32, #tpu.memory_space<vmem>> -> memref<10x64xf32, #tpu.memory_space<vmem>>
      %dma_wait3A_39 = arith.constant 0 : i32
      %dma_wait3A_40 = arith.constant 0 : i32
      %dma_wait3A_41 = tpu.memref_slice %arg10[%dma_wait3A_39, %dma_wait3A_40] : memref<16x64xf32, #tpu.memory_space<vmem>> -> memref<10x64xf32, #tpu.memory_space<vmem>>
      tpu.wait_dma2 semaphore(%run_scoped3A : memref<!tpu.dma_semaphore, #tpu.memory_space<semaphore_mem>>) src(%arg4 : memref<10x64xf32, #tpu.memory_space<hbm>>) dst(%dma_wait3A_41 : memref<10x64xf32, #tpu.memory_space<vmem>>)
      tpu.yield
    }) : () -> ()
    "tpu.region"() ({
      %run_scoped3A = tpu.sem_alloc : memref<!tpu.dma_semaphore, #tpu.memory_space<semaphore_mem>>
      %dma_start3A_30 = arith.constant 0 : i32
      %dma_start3A_31 = arith.constant 0 : i32
      %dma_start3A_32 = tpu.memref_slice %arg8[%dma_start3A_30, %dma_start3A_31] : memref<800x64xf32, #tpu.memory_space<vmem>> -> memref<8x64xf32, #tpu.memory_space<vmem>>
      %dma_start3A_33 = arith.constant 0 : i32
      %dma_start3A_34 = arith.constant 0 : i32
      %dma_start3A_35 = tpu.memref_slice %arg4[%dma_start3A_33, %dma_start3A_34] : memref<10x64xf32, #tpu.memory_space<hbm>> -> memref<8x64xf32, #tpu.memory_space<hbm>>
      %dma_start3A_36 = arith.constant 0 : i32
      %dma_start3A_37 = arith.constant 0 : i32
      %dma_start3A_38 = tpu.memref_slice %arg8[%dma_start3A_36, %dma_start3A_37] : memref<800x64xf32, #tpu.memory_space<vmem>> -> memref<8x64xf32, #tpu.memory_space<vmem>>
      %dma_start3A_39 = arith.constant 0 : i32
      %dma_start3A_40 = arith.constant 0 : i32
      %dma_start3A_41 = tpu.memref_slice %arg4[%dma_start3A_39, %dma_start3A_40] : memref<10x64xf32, #tpu.memory_space<hbm>> -> memref<8x64xf32, #tpu.memory_space<hbm>>
      tpu.enqueue_dma source(%dma_start3A_41 : memref<8x64xf32, #tpu.memory_space<hbm>>) target(%dma_start3A_38 : memref<8x64xf32, #tpu.memory_space<vmem>>) target_semaphore(%run_scoped3A : memref<!tpu.dma_semaphore, #tpu.memory_space<semaphore_mem>>)
      %dma_wait3A_42 = arith.constant 0 : i32
      %dma_wait3A_43 = arith.constant 0 : i32
      %dma_wait3A_44 = tpu.memref_slice %arg8[%dma_wait3A_42, %dma_wait3A_43] : memref<800x64xf32, #tpu.memory_space<vmem>> -> memref<8x64xf32, #tpu.memory_space<vmem>>
      %dma_wait3A_45 = arith.constant 0 : i32
      %dma_wait3A_46 = arith.constant 0 : i32
      %dma_wait3A_47 = tpu.memref_slice %arg4[%dma_wait3A_45, %dma_wait3A_46] : memref<10x64xf32, #tpu.memory_space<hbm>> -> memref<8x64xf32, #tpu.memory_space<hbm>>
      %dma_wait3A_48 = arith.constant 0 : i32
      %dma_wait3A_49 = arith.constant 0 : i32
      %dma_wait3A_50 = tpu.memref_slice %arg8[%dma_wait3A_48, %dma_wait3A_49] : memref<800x64xf32, #tpu.memory_space<vmem>> -> memref<8x64xf32, #tpu.memory_space<vmem>>
      %dma_wait3A_51 = arith.constant 0 : i32
      %dma_wait3A_52 = arith.constant 0 : i32
      %dma_wait3A_53 = tpu.memref_slice %arg4[%dma_wait3A_51, %dma_wait3A_52] : memref<10x64xf32, #tpu.memory_space<hbm>> -> memref<8x64xf32, #tpu.memory_space<hbm>>
      tpu.wait_dma2 semaphore(%run_scoped3A : memref<!tpu.dma_semaphore, #tpu.memory_space<semaphore_mem>>) src(%dma_wait3A_53 : memref<8x64xf32, #tpu.memory_space<hbm>>) dst(%dma_wait3A_50 : memref<8x64xf32, #tpu.memory_space<vmem>>)
      tpu.yield
    }) : () -> ()
    "tpu.region"() ({
      %run_scoped3A = tpu.sem_alloc : memref<!tpu.dma_semaphore, #tpu.memory_space<semaphore_mem>>
      %dma_start3A_30 = arith.constant 200 : i32
      %dma_start3A_31 = arith.constant 0 : i32
      %dma_start3A_32 = tpu.memref_slice %arg8[%dma_start3A_30, %dma_start3A_31] : memref<800x64xf32, #tpu.memory_space<vmem>> -> memref<8x64xf32, #tpu.memory_space<vmem>>
      %dma_start3A_33 = arith.constant 0 : i32
      %dma_start3A_34 = arith.constant 0 : i32
      %dma_start3A_35 = tpu.memref_slice %arg4[%dma_start3A_33, %dma_start3A_34] : memref<10x64xf32, #tpu.memory_space<hbm>> -> memref<8x64xf32, #tpu.memory_space<hbm>>
      %dma_start3A_36 = arith.constant 200 : i32
      %dma_start3A_37 = arith.constant 0 : i32
      %dma_start3A_38 = tpu.memref_slice %arg8[%dma_start3A_36, %dma_start3A_37] : memref<800x64xf32, #tpu.memory_space<vmem>> -> memref<8x64xf32, #tpu.memory_space<vmem>>
      %dma_start3A_39 = arith.constant 0 : i32
      %dma_start3A_40 = arith.constant 0 : i32
      %dma_start3A_41 = tpu.memref_slice %arg4[%dma_start3A_39, %dma_start3A_40] : memref<10x64xf32, #tpu.memory_space<hbm>> -> memref<8x64xf32, #tpu.memory_space<hbm>>
      tpu.enqueue_dma source(%dma_start3A_41 : memref<8x64xf32, #tpu.memory_space<hbm>>) target(%dma_start3A_38 : memref<8x64xf32, #tpu.memory_space<vmem>>) target_semaphore(%run_scoped3A : memref<!tpu.dma_semaphore, #tpu.memory_space<semaphore_mem>>)
      %dma_wait3A_42 = arith.constant 200 : i32
      %dma_wait3A_43 = arith.constant 0 : i32
      %dma_wait3A_44 = tpu.memref_slice %arg8[%dma_wait3A_42, %dma_wait3A_43] : memref<800x64xf32, #tpu.memory_space<vmem>> -> memref<8x64xf32, #tpu.memory_space<vmem>>
      %dma_wait3A_45 = arith.constant 0 : i32
      %dma_wait3A_46 = arith.constant 0 : i32
      %dma_wait3A_47 = tpu.memref_slice %arg4[%dma_wait3A_45, %dma_wait3A_46] : memref<10x64xf32, #tpu.memory_space<hbm>> -> memref<8x64xf32, #tpu.memory_space<hbm>>
      %dma_wait3A_48 = arith.constant 200 : i32
      %dma_wait3A_49 = arith.constant 0 : i32
      %dma_wait3A_50 = tpu.memref_slice %arg8[%dma_wait3A_48, %dma_wait3A_49] : memref<800x64xf32, #tpu.memory_space<vmem>> -> memref<8x64xf32, #tpu.memory_space<vmem>>
      %dma_wait3A_51 = arith.constant 0 : i32
      %dma_wait3A_52 = arith.constant 0 : i32
      %dma_wait3A_53 = tpu.memref_slice %arg4[%dma_wait3A_51, %dma_wait3A_52] : memref<10x64xf32, #tpu.memory_space<hbm>> -> memref<8x64xf32, #tpu.memory_space<hbm>>
      tpu.wait_dma2 semaphore(%run_scoped3A : memref<!tpu.dma_semaphore, #tpu.memory_space<semaphore_mem>>) src(%dma_wait3A_53 : memref<8x64xf32, #tpu.memory_space<hbm>>) dst(%dma_wait3A_50 : memref<8x64xf32, #tpu.memory_space<vmem>>)
      tpu.yield
    }) : () -> ()
    "tpu.region"() ({
      %run_scoped3A = tpu.sem_alloc : memref<!tpu.dma_semaphore, #tpu.memory_space<semaphore_mem>>
      %dma_start3A_30 = arith.constant 400 : i32
      %dma_start3A_31 = arith.constant 0 : i32
      %dma_start3A_32 = tpu.memref_slice %arg8[%dma_start3A_30, %dma_start3A_31] : memref<800x64xf32, #tpu.memory_space<vmem>> -> memref<8x64xf32, #tpu.memory_space<vmem>>
      %dma_start3A_33 = arith.constant 0 : i32
      %dma_start3A_34 = arith.constant 0 : i32
      %dma_start3A_35 = tpu.memref_slice %arg4[%dma_start3A_33, %dma_start3A_34] : memref<10x64xf32, #tpu.memory_space<hbm>> -> memref<8x64xf32, #tpu.memory_space<hbm>>
      %dma_start3A_36 = arith.constant 400 : i32
      %dma_start3A_37 = arith.constant 0 : i32
      %dma_start3A_38 = tpu.memref_slice %arg8[%dma_start3A_36, %dma_start3A_37] : memref<800x64xf32, #tpu.memory_space<vmem>> -> memref<8x64xf32, #tpu.memory_space<vmem>>
      %dma_start3A_39 = arith.constant 0 : i32
      %dma_start3A_40 = arith.constant 0 : i32
      %dma_start3A_41 = tpu.memref_slice %arg4[%dma_start3A_39, %dma_start3A_40] : memref<10x64xf32, #tpu.memory_space<hbm>> -> memref<8x64xf32, #tpu.memory_space<hbm>>
      tpu.enqueue_dma source(%dma_start3A_41 : memref<8x64xf32, #tpu.memory_space<hbm>>) target(%dma_start3A_38 : memref<8x64xf32, #tpu.memory_space<vmem>>) target_semaphore(%run_scoped3A : memref<!tpu.dma_semaphore, #tpu.memory_space<semaphore_mem>>)
      %dma_wait3A_42 = arith.constant 400 : i32
      %dma_wait3A_43 = arith.constant 0 : i32
      %dma_wait3A_44 = tpu.memref_slice %arg8[%dma_wait3A_42, %dma_wait3A_43] : memref<800x64xf32, #tpu.memory_space<vmem>> -> memref<8x64xf32, #tpu.memory_space<vmem>>
      %dma_wait3A_45 = arith.constant 0 : i32
      %dma_wait3A_46 = arith.constant 0 : i32
      %dma_wait3A_47 = tpu.memref_slice %arg4[%dma_wait3A_45, %dma_wait3A_46] : memref<10x64xf32, #tpu.memory_space<hbm>> -> memref<8x64xf32, #tpu.memory_space<hbm>>
      %dma_wait3A_48 = arith.constant 400 : i32
      %dma_wait3A_49 = arith.constant 0 : i32
      %dma_wait3A_50 = tpu.memref_slice %arg8[%dma_wait3A_48, %dma_wait3A_49] : memref<800x64xf32, #tpu.memory_space<vmem>> -> memref<8x64xf32, #tpu.memory_space<vmem>>
      %dma_wait3A_51 = arith.constant 0 : i32
      %dma_wait3A_52 = arith.constant 0 : i32
      %dma_wait3A_53 = tpu.memref_slice %arg4[%dma_wait3A_51, %dma_wait3A_52] : memref<10x64xf32, #tpu.memory_space<hbm>> -> memref<8x64xf32, #tpu.memory_space<hbm>>
      tpu.wait_dma2 semaphore(%run_scoped3A : memref<!tpu.dma_semaphore, #tpu.memory_space<semaphore_mem>>) src(%dma_wait3A_53 : memref<8x64xf32, #tpu.memory_space<hbm>>) dst(%dma_wait3A_50 : memref<8x64xf32, #tpu.memory_space<vmem>>)
      tpu.yield
    }) : () -> ()
    "tpu.region"() ({
      %run_scoped3A = tpu.sem_alloc : memref<!tpu.dma_semaphore, #tpu.memory_space<semaphore_mem>>
      %dma_start3A_30 = arith.constant 600 : i32
      %dma_start3A_31 = arith.constant 0 : i32
      %dma_start3A_32 = tpu.memref_slice %arg8[%dma_start3A_30, %dma_start3A_31] : memref<800x64xf32, #tpu.memory_space<vmem>> -> memref<8x64xf32, #tpu.memory_space<vmem>>
      %dma_start3A_33 = arith.constant 0 : i32
      %dma_start3A_34 = arith.constant 0 : i32
      %dma_start3A_35 = tpu.memref_slice %arg4[%dma_start3A_33, %dma_start3A_34] : memref<10x64xf32, #tpu.memory_space<hbm>> -> memref<8x64xf32, #tpu.memory_space<hbm>>
      %dma_start3A_36 = arith.constant 600 : i32
      %dma_start3A_37 = arith.constant 0 : i32
      %dma_start3A_38 = tpu.memref_slice %arg8[%dma_start3A_36, %dma_start3A_37] : memref<800x64xf32, #tpu.memory_space<vmem>> -> memref<8x64xf32, #tpu.memory_space<vmem>>
      %dma_start3A_39 = arith.constant 0 : i32
      %dma_start3A_40 = arith.constant 0 : i32
      %dma_start3A_41 = tpu.memref_slice %arg4[%dma_start3A_39, %dma_start3A_40] : memref<10x64xf32, #tpu.memory_space<hbm>> -> memref<8x64xf32, #tpu.memory_space<hbm>>
      tpu.enqueue_dma source(%dma_start3A_41 : memref<8x64xf32, #tpu.memory_space<hbm>>) target(%dma_start3A_38 : memref<8x64xf32, #tpu.memory_space<vmem>>) target_semaphore(%run_scoped3A : memref<!tpu.dma_semaphore, #tpu.memory_space<semaphore_mem>>)
      %dma_wait3A_42 = arith.constant 600 : i32
      %dma_wait3A_43 = arith.constant 0 : i32
      %dma_wait3A_44 = tpu.memref_slice %arg8[%dma_wait3A_42, %dma_wait3A_43] : memref<800x64xf32, #tpu.memory_space<vmem>> -> memref<8x64xf32, #tpu.memory_space<vmem>>
      %dma_wait3A_45 = arith.constant 0 : i32
      %dma_wait3A_46 = arith.constant 0 : i32
      %dma_wait3A_47 = tpu.memref_slice %arg4[%dma_wait3A_45, %dma_wait3A_46] : memref<10x64xf32, #tpu.memory_space<hbm>> -> memref<8x64xf32, #tpu.memory_space<hbm>>
      %dma_wait3A_48 = arith.constant 600 : i32
      %dma_wait3A_49 = arith.constant 0 : i32
      %dma_wait3A_50 = tpu.memref_slice %arg8[%dma_wait3A_48, %dma_wait3A_49] : memref<800x64xf32, #tpu.memory_space<vmem>> -> memref<8x64xf32, #tpu.memory_space<vmem>>
      %dma_wait3A_51 = arith.constant 0 : i32
      %dma_wait3A_52 = arith.constant 0 : i32
      %dma_wait3A_53 = tpu.memref_slice %arg4[%dma_wait3A_51, %dma_wait3A_52] : memref<10x64xf32, #tpu.memory_space<hbm>> -> memref<8x64xf32, #tpu.memory_space<hbm>>
      tpu.wait_dma2 semaphore(%run_scoped3A : memref<!tpu.dma_semaphore, #tpu.memory_space<semaphore_mem>>) src(%dma_wait3A_53 : memref<8x64xf32, #tpu.memory_space<hbm>>) dst(%dma_wait3A_50 : memref<8x64xf32, #tpu.memory_space<vmem>>)
      tpu.yield
    }) : () -> ()
    "tpu.region"() ({
      %run_scoped3A = tpu.sem_alloc : memref<!tpu.dma_semaphore, #tpu.memory_space<semaphore_mem>>
      %dma_start3A_30 = arith.constant 0 : i32
      %dma_start3A_31 = arith.constant 0 : i32
      %dma_start3A_32 = tpu.memref_slice %arg9[%dma_start3A_30, %dma_start3A_31] : memref<800x64xf32, #tpu.memory_space<vmem>> -> memref<8x64xf32, #tpu.memory_space<vmem>>
      %dma_start3A_33 = arith.constant 0 : i32
      %dma_start3A_34 = arith.constant 0 : i32
      %dma_start3A_35 = tpu.memref_slice %arg4[%dma_start3A_33, %dma_start3A_34] : memref<10x64xf32, #tpu.memory_space<hbm>> -> memref<8x64xf32, #tpu.memory_space<hbm>>
      %dma_start3A_36 = arith.constant 0 : i32
      %dma_start3A_37 = arith.constant 0 : i32
      %dma_start3A_38 = tpu.memref_slice %arg9[%dma_start3A_36, %dma_start3A_37] : memref<800x64xf32, #tpu.memory_space<vmem>> -> memref<8x64xf32, #tpu.memory_space<vmem>>
      %dma_start3A_39 = arith.constant 0 : i32
      %dma_start3A_40 = arith.constant 0 : i32
      %dma_start3A_41 = tpu.memref_slice %arg4[%dma_start3A_39, %dma_start3A_40] : memref<10x64xf32, #tpu.memory_space<hbm>> -> memref<8x64xf32, #tpu.memory_space<hbm>>
      tpu.enqueue_dma source(%dma_start3A_41 : memref<8x64xf32, #tpu.memory_space<hbm>>) target(%dma_start3A_38 : memref<8x64xf32, #tpu.memory_space<vmem>>) target_semaphore(%run_scoped3A : memref<!tpu.dma_semaphore, #tpu.memory_space<semaphore_mem>>)
      %dma_wait3A_42 = arith.constant 0 : i32
      %dma_wait3A_43 = arith.constant 0 : i32
      %dma_wait3A_44 = tpu.memref_slice %arg9[%dma_wait3A_42, %dma_wait3A_43] : memref<800x64xf32, #tpu.memory_space<vmem>> -> memref<8x64xf32, #tpu.memory_space<vmem>>
      %dma_wait3A_45 = arith.constant 0 : i32
      %dma_wait3A_46 = arith.constant 0 : i32
      %dma_wait3A_47 = tpu.memref_slice %arg4[%dma_wait3A_45, %dma_wait3A_46] : memref<10x64xf32, #tpu.memory_space<hbm>> -> memref<8x64xf32, #tpu.memory_space<hbm>>
      %dma_wait3A_48 = arith.constant 0 : i32
      %dma_wait3A_49 = arith.constant 0 : i32
      %dma_wait3A_50 = tpu.memref_slice %arg9[%dma_wait3A_48, %dma_wait3A_49] : memref<800x64xf32, #tpu.memory_space<vmem>> -> memref<8x64xf32, #tpu.memory_space<vmem>>
      %dma_wait3A_51 = arith.constant 0 : i32
      %dma_wait3A_52 = arith.constant 0 : i32
      %dma_wait3A_53 = tpu.memref_slice %arg4[%dma_wait3A_51, %dma_wait3A_52] : memref<10x64xf32, #tpu.memory_space<hbm>> -> memref<8x64xf32, #tpu.memory_space<hbm>>
      tpu.wait_dma2 semaphore(%run_scoped3A : memref<!tpu.dma_semaphore, #tpu.memory_space<semaphore_mem>>) src(%dma_wait3A_53 : memref<8x64xf32, #tpu.memory_space<hbm>>) dst(%dma_wait3A_50 : memref<8x64xf32, #tpu.memory_space<vmem>>)
      tpu.yield
    }) : () -> ()
    "tpu.region"() ({
      %run_scoped3A = tpu.sem_alloc : memref<!tpu.dma_semaphore, #tpu.memory_space<semaphore_mem>>
      %dma_start3A_30 = arith.constant 200 : i32
      %dma_start3A_31 = arith.constant 0 : i32
      %dma_start3A_32 = tpu.memref_slice %arg9[%dma_start3A_30, %dma_start3A_31] : memref<800x64xf32, #tpu.memory_space<vmem>> -> memref<8x64xf32, #tpu.memory_space<vmem>>
      %dma_start3A_33 = arith.constant 0 : i32
      %dma_start3A_34 = arith.constant 0 : i32
      %dma_start3A_35 = tpu.memref_slice %arg4[%dma_start3A_33, %dma_start3A_34] : memref<10x64xf32, #tpu.memory_space<hbm>> -> memref<8x64xf32, #tpu.memory_space<hbm>>
      %dma_start3A_36 = arith.constant 200 : i32
      %dma_start3A_37 = arith.constant 0 : i32
      %dma_start3A_38 = tpu.memref_slice %arg9[%dma_start3A_36, %dma_start3A_37] : memref<800x64xf32, #tpu.memory_space<vmem>> -> memref<8x64xf32, #tpu.memory_space<vmem>>
      %dma_start3A_39 = arith.constant 0 : i32
      %dma_start3A_40 = arith.constant 0 : i32
      %dma_start3A_41 = tpu.memref_slice %arg4[%dma_start3A_39, %dma_start3A_40] : memref<10x64xf32, #tpu.memory_space<hbm>> -> memref<8x64xf32, #tpu.memory_space<hbm>>
      tpu.enqueue_dma source(%dma_start3A_41 : memref<8x64xf32, #tpu.memory_space<hbm>>) target(%dma_start3A_38 : memref<8x64xf32, #tpu.memory_space<vmem>>) target_semaphore(%run_scoped3A : memref<!tpu.dma_semaphore, #tpu.memory_space<semaphore_mem>>)
      %dma_wait3A_42 = arith.constant 200 : i32
      %dma_wait3A_43 = arith.constant 0 : i32
      %dma_wait3A_44 = tpu.memref_slice %arg9[%dma_wait3A_42, %dma_wait3A_43] : memref<800x64xf32, #tpu.memory_space<vmem>> -> memref<8x64xf32, #tpu.memory_space<vmem>>
      %dma_wait3A_45 = arith.constant 0 : i32
      %dma_wait3A_46 = arith.constant 0 : i32
      %dma_wait3A_47 = tpu.memref_slice %arg4[%dma_wait3A_45, %dma_wait3A_46] : memref<10x64xf32, #tpu.memory_space<hbm>> -> memref<8x64xf32, #tpu.memory_space<hbm>>
      %dma_wait3A_48 = arith.constant 200 : i32
      %dma_wait3A_49 = arith.constant 0 : i32
      %dma_wait3A_50 = tpu.memref_slice %arg9[%dma_wait3A_48, %dma_wait3A_49] : memref<800x64xf32, #tpu.memory_space<vmem>> -> memref<8x64xf32, #tpu.memory_space<vmem>>
      %dma_wait3A_51 = arith.constant 0 : i32
      %dma_wait3A_52 = arith.constant 0 : i32
      %dma_wait3A_53 = tpu.memref_slice %arg4[%dma_wait3A_51, %dma_wait3A_52] : memref<10x64xf32, #tpu.memory_space<hbm>> -> memref<8x64xf32, #tpu.memory_space<hbm>>
      tpu.wait_dma2 semaphore(%run_scoped3A : memref<!tpu.dma_semaphore, #tpu.memory_space<semaphore_mem>>) src(%dma_wait3A_53 : memref<8x64xf32, #tpu.memory_space<hbm>>) dst(%dma_wait3A_50 : memref<8x64xf32, #tpu.memory_space<vmem>>)
      tpu.yield
    }) : () -> ()
    "tpu.region"() ({
      %run_scoped3A = tpu.sem_alloc : memref<!tpu.dma_semaphore, #tpu.memory_space<semaphore_mem>>
      %dma_start3A_30 = arith.constant 400 : i32
      %dma_start3A_31 = arith.constant 0 : i32
      %dma_start3A_32 = tpu.memref_slice %arg9[%dma_start3A_30, %dma_start3A_31] : memref<800x64xf32, #tpu.memory_space<vmem>> -> memref<8x64xf32, #tpu.memory_space<vmem>>
      %dma_start3A_33 = arith.constant 0 : i32
      %dma_start3A_34 = arith.constant 0 : i32
      %dma_start3A_35 = tpu.memref_slice %arg4[%dma_start3A_33, %dma_start3A_34] : memref<10x64xf32, #tpu.memory_space<hbm>> -> memref<8x64xf32, #tpu.memory_space<hbm>>
      %dma_start3A_36 = arith.constant 400 : i32
      %dma_start3A_37 = arith.constant 0 : i32
      %dma_start3A_38 = tpu.memref_slice %arg9[%dma_start3A_36, %dma_start3A_37] : memref<800x64xf32, #tpu.memory_space<vmem>> -> memref<8x64xf32, #tpu.memory_space<vmem>>
      %dma_start3A_39 = arith.constant 0 : i32
      %dma_start3A_40 = arith.constant 0 : i32
      %dma_start3A_41 = tpu.memref_slice %arg4[%dma_start3A_39, %dma_start3A_40] : memref<10x64xf32, #tpu.memory_space<hbm>> -> memref<8x64xf32, #tpu.memory_space<hbm>>
      tpu.enqueue_dma source(%dma_start3A_41 : memref<8x64xf32, #tpu.memory_space<hbm>>) target(%dma_start3A_38 : memref<8x64xf32, #tpu.memory_space<vmem>>) target_semaphore(%run_scoped3A : memref<!tpu.dma_semaphore, #tpu.memory_space<semaphore_mem>>)
      %dma_wait3A_42 = arith.constant 400 : i32
      %dma_wait3A_43 = arith.constant 0 : i32
      %dma_wait3A_44 = tpu.memref_slice %arg9[%dma_wait3A_42, %dma_wait3A_43] : memref<800x64xf32, #tpu.memory_space<vmem>> -> memref<8x64xf32, #tpu.memory_space<vmem>>
      %dma_wait3A_45 = arith.constant 0 : i32
      %dma_wait3A_46 = arith.constant 0 : i32
      %dma_wait3A_47 = tpu.memref_slice %arg4[%dma_wait3A_45, %dma_wait3A_46] : memref<10x64xf32, #tpu.memory_space<hbm>> -> memref<8x64xf32, #tpu.memory_space<hbm>>
      %dma_wait3A_48 = arith.constant 400 : i32
      %dma_wait3A_49 = arith.constant 0 : i32
      %dma_wait3A_50 = tpu.memref_slice %arg9[%dma_wait3A_48, %dma_wait3A_49] : memref<800x64xf32, #tpu.memory_space<vmem>> -> memref<8x64xf32, #tpu.memory_space<vmem>>
      %dma_wait3A_51 = arith.constant 0 : i32
      %dma_wait3A_52 = arith.constant 0 : i32
      %dma_wait3A_53 = tpu.memref_slice %arg4[%dma_wait3A_51, %dma_wait3A_52] : memref<10x64xf32, #tpu.memory_space<hbm>> -> memref<8x64xf32, #tpu.memory_space<hbm>>
      tpu.wait_dma2 semaphore(%run_scoped3A : memref<!tpu.dma_semaphore, #tpu.memory_space<semaphore_mem>>) src(%dma_wait3A_53 : memref<8x64xf32, #tpu.memory_space<hbm>>) dst(%dma_wait3A_50 : memref<8x64xf32, #tpu.memory_space<vmem>>)
      tpu.yield
    }) : () -> ()
    "tpu.region"() ({
      %run_scoped3A = tpu.sem_alloc : memref<!tpu.dma_semaphore, #tpu.memory_space<semaphore_mem>>
      %dma_start3A_30 = arith.constant 600 : i32
      %dma_start3A_31 = arith.constant 0 : i32
      %dma_start3A_32 = tpu.memref_slice %arg9[%dma_start3A_30, %dma_start3A_31] : memref<800x64xf32, #tpu.memory_space<vmem>> -> memref<8x64xf32, #tpu.memory_space<vmem>>
      %dma_start3A_33 = arith.constant 0 : i32
      %dma_start3A_34 = arith.constant 0 : i32
      %dma_start3A_35 = tpu.memref_slice %arg4[%dma_start3A_33, %dma_start3A_34] : memref<10x64xf32, #tpu.memory_space<hbm>> -> memref<8x64xf32, #tpu.memory_space<hbm>>
      %dma_start3A_36 = arith.constant 600 : i32
      %dma_start3A_37 = arith.constant 0 : i32
      %dma_start3A_38 = tpu.memref_slice %arg9[%dma_start3A_36, %dma_start3A_37] : memref<800x64xf32, #tpu.memory_space<vmem>> -> memref<8x64xf32, #tpu.memory_space<vmem>>
      %dma_start3A_39 = arith.constant 0 : i32
      %dma_start3A_40 = arith.constant 0 : i32
      %dma_start3A_41 = tpu.memref_slice %arg4[%dma_start3A_39, %dma_start3A_40] : memref<10x64xf32, #tpu.memory_space<hbm>> -> memref<8x64xf32, #tpu.memory_space<hbm>>
      tpu.enqueue_dma source(%dma_start3A_41 : memref<8x64xf32, #tpu.memory_space<hbm>>) target(%dma_start3A_38 : memref<8x64xf32, #tpu.memory_space<vmem>>) target_semaphore(%run_scoped3A : memref<!tpu.dma_semaphore, #tpu.memory_space<semaphore_mem>>)
      %dma_wait3A_42 = arith.constant 600 : i32
      %dma_wait3A_43 = arith.constant 0 : i32
      %dma_wait3A_44 = tpu.memref_slice %arg9[%dma_wait3A_42, %dma_wait3A_43] : memref<800x64xf32, #tpu.memory_space<vmem>> -> memref<8x64xf32, #tpu.memory_space<vmem>>
      %dma_wait3A_45 = arith.constant 0 : i32
      %dma_wait3A_46 = arith.constant 0 : i32
      %dma_wait3A_47 = tpu.memref_slice %arg4[%dma_wait3A_45, %dma_wait3A_46] : memref<10x64xf32, #tpu.memory_space<hbm>> -> memref<8x64xf32, #tpu.memory_space<hbm>>
      %dma_wait3A_48 = arith.constant 600 : i32
      %dma_wait3A_49 = arith.constant 0 : i32
      %dma_wait3A_50 = tpu.memref_slice %arg9[%dma_wait3A_48, %dma_wait3A_49] : memref<800x64xf32, #tpu.memory_space<vmem>> -> memref<8x64xf32, #tpu.memory_space<vmem>>
      %dma_wait3A_51 = arith.constant 0 : i32
      %dma_wait3A_52 = arith.constant 0 : i32
      %dma_wait3A_53 = tpu.memref_slice %arg4[%dma_wait3A_51, %dma_wait3A_52] : memref<10x64xf32, #tpu.memory_space<hbm>> -> memref<8x64xf32, #tpu.memory_space<hbm>>
      tpu.wait_dma2 semaphore(%run_scoped3A : memref<!tpu.dma_semaphore, #tpu.memory_space<semaphore_mem>>) src(%dma_wait3A_53 : memref<8x64xf32, #tpu.memory_space<hbm>>) dst(%dma_wait3A_50 : memref<8x64xf32, #tpu.memory_space<vmem>>)
      tpu.yield
    }) : () -> ()
    %add3A_3 = arith.constant 0 : i32
    %add3A_4 = arith.addi %mul3A_2, %add3A_3 : i32
    %mul3A_5 = arith.constant 200 : i32
    %mul3A_6 = arith.muli %add3A_4, %mul3A_5 : i32
    %dma_start3A = tpu.memref_slice %arg2[%mul3A_6] : memref<819200xi32, #tpu.memory_space<hbm>> -> memref<800xi32, #tpu.memory_space<hbm>>
    %dma_start3A_7 = tpu.memref_slice %arg2[%mul3A_6] : memref<819200xi32, #tpu.memory_space<hbm>> -> memref<800xi32, #tpu.memory_space<hbm>>
    tpu.enqueue_dma source(%dma_start3A_7 : memref<800xi32, #tpu.memory_space<hbm>>) target(%arg6 : memref<800xi32, #tpu.memory_space<vmem>>) target_semaphore(%arg11 : memref<!tpu.dma_semaphore, #tpu.memory_space<semaphore_mem>>)
    %add3A_8 = arith.constant 4 : i32
    %add3A_9 = arith.addi %mul3A_2, %add3A_8 : i32
    %mul3A_10 = arith.constant 200 : i32
    %mul3A_11 = arith.muli %add3A_9, %mul3A_10 : i32
    %dma_start3A_12 = tpu.memref_slice %arg2[%mul3A_11] : memref<819200xi32, #tpu.memory_space<hbm>> -> memref<800xi32, #tpu.memory_space<hbm>>
    %dma_start3A_13 = tpu.memref_slice %arg2[%mul3A_11] : memref<819200xi32, #tpu.memory_space<hbm>> -> memref<800xi32, #tpu.memory_space<hbm>>
    tpu.enqueue_dma source(%dma_start3A_13 : memref<800xi32, #tpu.memory_space<hbm>>) target(%arg7 : memref<800xi32, #tpu.memory_space<vmem>>) target_semaphore(%arg12 : memref<!tpu.dma_semaphore, #tpu.memory_space<semaphore_mem>>)
    %scan3A = arith.constant 0 : i32
    %scan3A_14 = arith.constant 0 : i32
    %scan3A_15 = arith.constant 16 : i32
    %scan3A_16 = arith.addi %scan3A_14, %scan3A_15 : i32
    %scan3A_17 = arith.constant 1 : i32
    scf.for %scan3A_30 = %scan3A_14 to %scan3A_16 step %scan3A_17  : i32 {
      %mul3A_31 = arith.constant 2 : i32
      %mul3A_32 = arith.muli %scan3A_30, %mul3A_31 : i32
      %add3A_33 = arith.constant 0 : i32
      %add3A_34 = arith.addi %mul3A_32, %add3A_33 : i32
      %mul3A_35 = arith.constant 4 : i32
      %mul3A_36 = arith.muli %add3A_34, %mul3A_35 : i32
      %add3A_37 = arith.addi %mul3A_2, %mul3A_36 : i32
      %dma_wait3A_38 = arith.constant 0 : i32
      %dma_wait3A_39 = tpu.memref_slice %arg2[%dma_wait3A_38] : memref<819200xi32, #tpu.memory_space<hbm>> -> memref<800xi32, #tpu.memory_space<hbm>>
      %dma_wait3A_40 = arith.constant 0 : i32
      %dma_wait3A_41 = tpu.memref_slice %arg2[%dma_wait3A_40] : memref<819200xi32, #tpu.memory_space<hbm>> -> memref<800xi32, #tpu.memory_space<hbm>>
      tpu.wait_dma2 semaphore(%arg11 : memref<!tpu.dma_semaphore, #tpu.memory_space<semaphore_mem>>) src(%dma_wait3A_41 : memref<800xi32, #tpu.memory_space<hbm>>) dst(%arg6 : memref<800xi32, #tpu.memory_space<vmem>>)
      %ge3A = arith.constant 2 : i32
      %ge3A_42 = arith.cmpi sge, %add3A_34, %ge3A : i32
      %convert_element_type3A = arith.extui %ge3A_42 : i1 to i32
      %cond3A = arith.constant 0 : i32
      %cond3A_43 = arith.cmpi ne, %convert_element_type3A, %cond3A : i32
      scf.if %cond3A_43 {
        %dma_wait3A_1009 = arith.constant 0 : i32
        %dma_wait3A_1010 = arith.constant 0 : i32
        %dma_wait3A_1011 = tpu.memref_slice %arg5[%dma_wait3A_1009, %dma_wait3A_1010] : memref<819200x64xf32, #tpu.memory_space<hbm>> -> memref<800x64xf32, #tpu.memory_space<hbm>>
        %dma_wait3A_1012 = arith.constant 0 : i32
        %dma_wait3A_1013 = arith.constant 0 : i32
        %dma_wait3A_1014 = tpu.memref_slice %arg5[%dma_wait3A_1012, %dma_wait3A_1013] : memref<819200x64xf32, #tpu.memory_space<hbm>> -> memref<800x64xf32, #tpu.memory_space<hbm>>
        tpu.wait_dma2 semaphore(%arg15 : memref<!tpu.dma_semaphore, #tpu.memory_space<semaphore_mem>>) src(%arg8 : memref<800x64xf32, #tpu.memory_space<vmem>>) dst(%dma_wait3A_1014 : memref<800x64xf32, #tpu.memory_space<hbm>>)
      } else {
      }
      %dma_start3A_44 = arith.constant 8 : i32
      %dma_start3A_45 = arith.constant 0 : i32
      %dma_start3A_46 = tpu.memref_slice %arg8[%dma_start3A_44, %dma_start3A_45] : memref<800x64xf32, #tpu.memory_space<vmem>> -> memref<96x64xf32, #tpu.memory_space<vmem>>
      %dma_start3A_47 = arith.constant 8 : i32
      %dma_start3A_48 = tpu.memref_slice %arg6[%dma_start3A_47] : memref<800xi32, #tpu.memory_space<vmem>> -> memref<96xi32, #tpu.memory_space<vmem>>
      %dma_start3A_49 = arith.constant 0 : i32
      %dma_start3A_50 = arith.constant 0 : i32
      %dma_start3A_51 = tpu.memref_slice %arg3[%dma_start3A_49, %dma_start3A_50] : memref<1000000x64xf32, #tpu.memory_space<hbm>> -> memref<1000000x64xf32, #tpu.memory_space<hbm>>
      tpu.enqueue_indirect_dma source(%dma_start3A_51 : memref<1000000x64xf32, #tpu.memory_space<hbm>>) target(%dma_start3A_46 : memref<96x64xf32, #tpu.memory_space<vmem>>) offsets(%dma_start3A_48 : memref<96xi32, #tpu.memory_space<vmem>>) semaphore(%arg13 : memref<!tpu.dma_semaphore, #tpu.memory_space<semaphore_mem>>)
      %dma_start3A_52 = arith.constant 104 : i32
      %dma_start3A_53 = arith.constant 0 : i32
      %dma_start3A_54 = tpu.memref_slice %arg8[%dma_start3A_52, %dma_start3A_53] : memref<800x64xf32, #tpu.memory_space<vmem>> -> memref<96x64xf32, #tpu.memory_space<vmem>>
      %dma_start3A_55 = arith.constant 104 : i32
      %dma_start3A_56 = tpu.memref_slice %arg6[%dma_start3A_55] : memref<800xi32, #tpu.memory_space<vmem>> -> memref<96xi32, #tpu.memory_space<vmem>>
      %dma_start3A_57 = arith.constant 0 : i32
      %dma_start3A_58 = arith.constant 0 : i32
      %dma_start3A_59 = tpu.memref_slice %arg3[%dma_start3A_57, %dma_start3A_58] : memref<1000000x64xf32, #tpu.memory_space<hbm>> -> memref<1000000x64xf32, #tpu.memory_space<hbm>>
      tpu.enqueue_indirect_dma source(%dma_start3A_59 : memref<1000000x64xf32, #tpu.memory_space<hbm>>) target(%dma_start3A_54 : memref<96x64xf32, #tpu.memory_space<vmem>>) offsets(%dma_start3A_56 : memref<96xi32, #tpu.memory_space<vmem>>) semaphore(%arg13 : memref<!tpu.dma_semaphore, #tpu.memory_space<semaphore_mem>>)
      %dma_start3A_60 = arith.constant 208 : i32
      %dma_start3A_61 = arith.constant 0 : i32
      %dma_start3A_62 = tpu.memref_slice %arg8[%dma_start3A_60, %dma_start3A_61] : memref<800x64xf32, #tpu.memory_space<vmem>> -> memref<96x64xf32, #tpu.memory_space<vmem>>
      %dma_start3A_63 = arith.constant 208 : i32
      %dma_start3A_64 = tpu.memref_slice %arg6[%dma_start3A_63] : memref<800xi32, #tpu.memory_space<vmem>> -> memref<96xi32, #tpu.memory_space<vmem>>
      %dma_start3A_65 = arith.constant 0 : i32
      %dma_start3A_66 = arith.constant 0 : i32
      %dma_start3A_67 = tpu.memref_slice %arg3[%dma_start3A_65, %dma_start3A_66] : memref<1000000x64xf32, #tpu.memory_space<hbm>> -> memref<1000000x64xf32, #tpu.memory_space<hbm>>
      tpu.enqueue_indirect_dma source(%dma_start3A_67 : memref<1000000x64xf32, #tpu.memory_space<hbm>>) target(%dma_start3A_62 : memref<96x64xf32, #tpu.memory_space<vmem>>) offsets(%dma_start3A_64 : memref<96xi32, #tpu.memory_space<vmem>>) semaphore(%arg13 : memref<!tpu.dma_semaphore, #tpu.memory_space<semaphore_mem>>)
      %dma_start3A_68 = arith.constant 304 : i32
      %dma_start3A_69 = arith.constant 0 : i32
      %dma_start3A_70 = tpu.memref_slice %arg8[%dma_start3A_68, %dma_start3A_69] : memref<800x64xf32, #tpu.memory_space<vmem>> -> memref<96x64xf32, #tpu.memory_space<vmem>>
      %dma_start3A_71 = arith.constant 304 : i32
      %dma_start3A_72 = tpu.memref_slice %arg6[%dma_start3A_71] : memref<800xi32, #tpu.memory_space<vmem>> -> memref<96xi32, #tpu.memory_space<vmem>>
      %dma_start3A_73 = arith.constant 0 : i32
      %dma_start3A_74 = arith.constant 0 : i32
      %dma_start3A_75 = tpu.memref_slice %arg3[%dma_start3A_73, %dma_start3A_74] : memref<1000000x64xf32, #tpu.memory_space<hbm>> -> memref<1000000x64xf32, #tpu.memory_space<hbm>>
      tpu.enqueue_indirect_dma source(%dma_start3A_75 : memref<1000000x64xf32, #tpu.memory_space<hbm>>) target(%dma_start3A_70 : memref<96x64xf32, #tpu.memory_space<vmem>>) offsets(%dma_start3A_72 : memref<96xi32, #tpu.memory_space<vmem>>) semaphore(%arg13 : memref<!tpu.dma_semaphore, #tpu.memory_space<semaphore_mem>>)
      %dma_start3A_76 = arith.constant 408 : i32
      %dma_start3A_77 = arith.constant 0 : i32
      %dma_start3A_78 = tpu.memref_slice %arg8[%dma_start3A_76, %dma_start3A_77] : memref<800x64xf32, #tpu.memory_space<vmem>> -> memref<96x64xf32, #tpu.memory_space<vmem>>
      %dma_start3A_79 = arith.constant 408 : i32
      %dma_start3A_80 = tpu.memref_slice %arg6[%dma_start3A_79] : memref<800xi32, #tpu.memory_space<vmem>> -> memref<96xi32, #tpu.memory_space<vmem>>
      %dma_start3A_81 = arith.constant 0 : i32
      %dma_start3A_82 = arith.constant 0 : i32
      %dma_start3A_83 = tpu.memref_slice %arg3[%dma_start3A_81, %dma_start3A_82] : memref<1000000x64xf32, #tpu.memory_space<hbm>> -> memref<1000000x64xf32, #tpu.memory_space<hbm>>
      tpu.enqueue_indirect_dma source(%dma_start3A_83 : memref<1000000x64xf32, #tpu.memory_space<hbm>>) target(%dma_start3A_78 : memref<96x64xf32, #tpu.memory_space<vmem>>) offsets(%dma_start3A_80 : memref<96xi32, #tpu.memory_space<vmem>>) semaphore(%arg13 : memref<!tpu.dma_semaphore, #tpu.memory_space<semaphore_mem>>)
      %dma_start3A_84 = arith.constant 504 : i32
      %dma_start3A_85 = arith.constant 0 : i32
      %dma_start3A_86 = tpu.memref_slice %arg8[%dma_start3A_84, %dma_start3A_85] : memref<800x64xf32, #tpu.memory_space<vmem>> -> memref<96x64xf32, #tpu.memory_space<vmem>>
      %dma_start3A_87 = arith.constant 504 : i32
      %dma_start3A_88 = tpu.memref_slice %arg6[%dma_start3A_87] : memref<800xi32, #tpu.memory_space<vmem>> -> memref<96xi32, #tpu.memory_space<vmem>>
      %dma_start3A_89 = arith.constant 0 : i32
      %dma_start3A_90 = arith.constant 0 : i32
      %dma_start3A_91 = tpu.memref_slice %arg3[%dma_start3A_89, %dma_start3A_90] : memref<1000000x64xf32, #tpu.memory_space<hbm>> -> memref<1000000x64xf32, #tpu.memory_space<hbm>>
      tpu.enqueue_indirect_dma source(%dma_start3A_91 : memref<1000000x64xf32, #tpu.memory_space<hbm>>) target(%dma_start3A_86 : memref<96x64xf32, #tpu.memory_space<vmem>>) offsets(%dma_start3A_88 : memref<96xi32, #tpu.memory_space<vmem>>) semaphore(%arg13 : memref<!tpu.dma_semaphore, #tpu.memory_space<semaphore_mem>>)
      %dma_start3A_92 = arith.constant 608 : i32
      %dma_start3A_93 = arith.constant 0 : i32
      %dma_start3A_94 = tpu.memref_slice %arg8[%dma_start3A_92, %dma_start3A_93] : memref<800x64xf32, #tpu.memory_space<vmem>> -> memref<96x64xf32, #tpu.memory_space<vmem>>
      %dma_start3A_95 = arith.constant 608 : i32
      %dma_start3A_96 = tpu.memref_slice %arg6[%dma_start3A_95] : memref<800xi32, #tpu.memory_space<vmem>> -> memref<96xi32, #tpu.memory_space<vmem>>
      %dma_start3A_97 = arith.constant 0 : i32
      %dma_start3A_98 = arith.constant 0 : i32
      %dma_start3A_99 = tpu.memref_slice %arg3[%dma_start3A_97, %dma_start3A_98] : memref<1000000x64xf32, #tpu.memory_space<hbm>> -> memref<1000000x64xf32, #tpu.memory_space<hbm>>
      tpu.enqueue_indirect_dma source(%dma_start3A_99 : memref<1000000x64xf32, #tpu.memory_space<hbm>>) target(%dma_start3A_94 : memref<96x64xf32, #tpu.memory_space<vmem>>) offsets(%dma_start3A_96 : memref<96xi32, #tpu.memory_space<vmem>>) semaphore(%arg13 : memref<!tpu.dma_semaphore, #tpu.memory_space<semaphore_mem>>)
      %dma_start3A_100 = arith.constant 704 : i32
      %dma_start3A_101 = arith.constant 0 : i32
      %dma_start3A_102 = tpu.memref_slice %arg8[%dma_start3A_100, %dma_start3A_101] : memref<800x64xf32, #tpu.memory_space<vmem>> -> memref<96x64xf32, #tpu.memory_space<vmem>>
      %dma_start3A_103 = arith.constant 704 : i32
      %dma_start3A_104 = tpu.memref_slice %arg6[%dma_start3A_103] : memref<800xi32, #tpu.memory_space<vmem>> -> memref<96xi32, #tpu.memory_space<vmem>>
      %dma_start3A_105 = arith.constant 0 : i32
      %dma_start3A_106 = arith.constant 0 : i32
      %dma_start3A_107 = tpu.memref_slice %arg3[%dma_start3A_105, %dma_start3A_106] : memref<1000000x64xf32, #tpu.memory_space<hbm>> -> memref<1000000x64xf32, #tpu.memory_space<hbm>>
      tpu.enqueue_indirect_dma source(%dma_start3A_107 : memref<1000000x64xf32, #tpu.memory_space<hbm>>) target(%dma_start3A_102 : memref<96x64xf32, #tpu.memory_space<vmem>>) offsets(%dma_start3A_104 : memref<96xi32, #tpu.memory_space<vmem>>) semaphore(%arg13 : memref<!tpu.dma_semaphore, #tpu.memory_space<semaphore_mem>>)
      %dma_wait3A_108 = arith.constant 8 : i32
      %dma_wait3A_109 = arith.constant 0 : i32
      %dma_wait3A_110 = tpu.memref_slice %arg8[%dma_wait3A_108, %dma_wait3A_109] : memref<800x64xf32, #tpu.memory_space<vmem>> -> memref<192x64xf32, #tpu.memory_space<vmem>>
      %dma_wait3A_111 = arith.constant 0 : i32
      %dma_wait3A_112 = arith.constant 0 : i32
      %dma_wait3A_113 = tpu.memref_slice %arg3[%dma_wait3A_111, %dma_wait3A_112] : memref<1000000x64xf32, #tpu.memory_space<hbm>> -> memref<192x64xf32, #tpu.memory_space<hbm>>
      %dma_wait3A_114 = arith.constant 8 : i32
      %dma_wait3A_115 = arith.constant 0 : i32
      %dma_wait3A_116 = tpu.memref_slice %arg8[%dma_wait3A_114, %dma_wait3A_115] : memref<800x64xf32, #tpu.memory_space<vmem>> -> memref<192x64xf32, #tpu.memory_space<vmem>>
      %dma_wait3A_117 = arith.constant 0 : i32
      %dma_wait3A_118 = arith.constant 0 : i32
      %dma_wait3A_119 = tpu.memref_slice %arg3[%dma_wait3A_117, %dma_wait3A_118] : memref<1000000x64xf32, #tpu.memory_space<hbm>> -> memref<192x64xf32, #tpu.memory_space<hbm>>
      tpu.wait_dma2 semaphore(%arg13 : memref<!tpu.dma_semaphore, #tpu.memory_space<semaphore_mem>>) src(%dma_wait3A_119 : memref<192x64xf32, #tpu.memory_space<hbm>>) dst(%dma_wait3A_116 : memref<192x64xf32, #tpu.memory_space<vmem>>)
      %dma_wait3A_120 = arith.constant 208 : i32
      %dma_wait3A_121 = arith.constant 0 : i32
      %dma_wait3A_122 = tpu.memref_slice %arg8[%dma_wait3A_120, %dma_wait3A_121] : memref<800x64xf32, #tpu.memory_space<vmem>> -> memref<192x64xf32, #tpu.memory_space<vmem>>
      %dma_wait3A_123 = arith.constant 0 : i32
      %dma_wait3A_124 = arith.constant 0 : i32
      %dma_wait3A_125 = tpu.memref_slice %arg3[%dma_wait3A_123, %dma_wait3A_124] : memref<1000000x64xf32, #tpu.memory_space<hbm>> -> memref<192x64xf32, #tpu.memory_space<hbm>>
      %dma_wait3A_126 = arith.constant 208 : i32
      %dma_wait3A_127 = arith.constant 0 : i32
      %dma_wait3A_128 = tpu.memref_slice %arg8[%dma_wait3A_126, %dma_wait3A_127] : memref<800x64xf32, #tpu.memory_space<vmem>> -> memref<192x64xf32, #tpu.memory_space<vmem>>
      %dma_wait3A_129 = arith.constant 0 : i32
      %dma_wait3A_130 = arith.constant 0 : i32
      %dma_wait3A_131 = tpu.memref_slice %arg3[%dma_wait3A_129, %dma_wait3A_130] : memref<1000000x64xf32, #tpu.memory_space<hbm>> -> memref<192x64xf32, #tpu.memory_space<hbm>>
      tpu.wait_dma2 semaphore(%arg13 : memref<!tpu.dma_semaphore, #tpu.memory_space<semaphore_mem>>) src(%dma_wait3A_131 : memref<192x64xf32, #tpu.memory_space<hbm>>) dst(%dma_wait3A_128 : memref<192x64xf32, #tpu.memory_space<vmem>>)
      %dma_wait3A_132 = arith.constant 408 : i32
      %dma_wait3A_133 = arith.constant 0 : i32
      %dma_wait3A_134 = tpu.memref_slice %arg8[%dma_wait3A_132, %dma_wait3A_133] : memref<800x64xf32, #tpu.memory_space<vmem>> -> memref<192x64xf32, #tpu.memory_space<vmem>>
      %dma_wait3A_135 = arith.constant 0 : i32
      %dma_wait3A_136 = arith.constant 0 : i32
      %dma_wait3A_137 = tpu.memref_slice %arg3[%dma_wait3A_135, %dma_wait3A_136] : memref<1000000x64xf32, #tpu.memory_space<hbm>> -> memref<192x64xf32, #tpu.memory_space<hbm>>
      %dma_wait3A_138 = arith.constant 408 : i32
      %dma_wait3A_139 = arith.constant 0 : i32
      %dma_wait3A_140 = tpu.memref_slice %arg8[%dma_wait3A_138, %dma_wait3A_139] : memref<800x64xf32, #tpu.memory_space<vmem>> -> memref<192x64xf32, #tpu.memory_space<vmem>>
      %dma_wait3A_141 = arith.constant 0 : i32
      %dma_wait3A_142 = arith.constant 0 : i32
      %dma_wait3A_143 = tpu.memref_slice %arg3[%dma_wait3A_141, %dma_wait3A_142] : memref<1000000x64xf32, #tpu.memory_space<hbm>> -> memref<192x64xf32, #tpu.memory_space<hbm>>
      tpu.wait_dma2 semaphore(%arg13 : memref<!tpu.dma_semaphore, #tpu.memory_space<semaphore_mem>>) src(%dma_wait3A_143 : memref<192x64xf32, #tpu.memory_space<hbm>>) dst(%dma_wait3A_140 : memref<192x64xf32, #tpu.memory_space<vmem>>)
      %dma_wait3A_144 = arith.constant 608 : i32
      %dma_wait3A_145 = arith.constant 0 : i32
      %dma_wait3A_146 = tpu.memref_slice %arg8[%dma_wait3A_144, %dma_wait3A_145] : memref<800x64xf32, #tpu.memory_space<vmem>> -> memref<192x64xf32, #tpu.memory_space<vmem>>
      %dma_wait3A_147 = arith.constant 0 : i32
      %dma_wait3A_148 = arith.constant 0 : i32
      %dma_wait3A_149 = tpu.memref_slice %arg3[%dma_wait3A_147, %dma_wait3A_148] : memref<1000000x64xf32, #tpu.memory_space<hbm>> -> memref<192x64xf32, #tpu.memory_space<hbm>>
      %dma_wait3A_150 = arith.constant 608 : i32
      %dma_wait3A_151 = arith.constant 0 : i32
      %dma_wait3A_152 = tpu.memref_slice %arg8[%dma_wait3A_150, %dma_wait3A_151] : memref<800x64xf32, #tpu.memory_space<vmem>> -> memref<192x64xf32, #tpu.memory_space<vmem>>
      %dma_wait3A_153 = arith.constant 0 : i32
      %dma_wait3A_154 = arith.constant 0 : i32
      %dma_wait3A_155 = tpu.memref_slice %arg3[%dma_wait3A_153, %dma_wait3A_154] : memref<1000000x64xf32, #tpu.memory_space<hbm>> -> memref<192x64xf32, #tpu.memory_space<hbm>>
      tpu.wait_dma2 semaphore(%arg13 : memref<!tpu.dma_semaphore, #tpu.memory_space<semaphore_mem>>) src(%dma_wait3A_155 : memref<192x64xf32, #tpu.memory_space<hbm>>) dst(%dma_wait3A_152 : memref<192x64xf32, #tpu.memory_space<vmem>>)
      %add3A_156 = arith.constant 2 : i32
      %add3A_157 = arith.addi %add3A_34, %add3A_156 : i32
      %lt3A = arith.constant 32 : i32
      %lt3A_158 = arith.cmpi slt, %add3A_157, %lt3A : i32
      %convert_element_type3A_159 = arith.extui %lt3A_158 : i1 to i32
      %cond3A_160 = arith.constant 0 : i32
      %cond3A_161 = arith.cmpi ne, %convert_element_type3A_159, %cond3A_160 : i32
      scf.if %cond3A_161 {
        %add3A_1009 = arith.constant 2 : i32
        %add3A_1010 = arith.addi %add3A_34, %add3A_1009 : i32
        %mul3A_1011 = arith.constant 4 : i32
        %mul3A_1012 = arith.muli %add3A_1010, %mul3A_1011 : i32
        %add3A_1013 = arith.addi %mul3A_2, %mul3A_1012 : i32
        %mul3A_1014 = arith.constant 200 : i32
        %mul3A_1015 = arith.muli %add3A_1013, %mul3A_1014 : i32
        %dma_start3A_1016 = tpu.memref_slice %arg2[%mul3A_1015] : memref<819200xi32, #tpu.memory_space<hbm>> -> memref<800xi32, #tpu.memory_space<hbm>>
        %dma_start3A_1017 = tpu.memref_slice %arg2[%mul3A_1015] : memref<819200xi32, #tpu.memory_space<hbm>> -> memref<800xi32, #tpu.memory_space<hbm>>
        tpu.enqueue_dma source(%dma_start3A_1017 : memref<800xi32, #tpu.memory_space<hbm>>) target(%arg6 : memref<800xi32, #tpu.memory_space<vmem>>) target_semaphore(%arg11 : memref<!tpu.dma_semaphore, #tpu.memory_space<semaphore_mem>>)
      } else {
      }
      %get3A = arith.constant 8 : i32
      %get3A_162 = arith.index_cast %get3A : i32 to index
      %get3A_163 = arith.constant 0 : index
      %get3A_164 = tpu.vector_load %arg10[%get3A_162, %get3A_163] {strides = array<i32>} : memref<16x64xf32, #tpu.memory_space<vmem>>, vector<1x16xf32>,
      %get3A_165 = vector.shape_cast %get3A_164 : vector<1x16xf32> to vector<16xf32>
      %swap3A = arith.constant 8 : i32
      %swap3A_166 = arith.index_cast %swap3A : i32 to index
      %swap3A_167 = arith.constant 0 : index
      %swap3A_168 = tpu.vector_load %arg8[%swap3A_166, %swap3A_167] {strides = array<i32>} : memref<800x64xf32, #tpu.memory_space<vmem>>, vector<1x16xf32>,
      %swap3A_169 = vector.shape_cast %swap3A_168 : vector<1x16xf32> to vector<16xf32>
      %swap3A_170 = vector.shape_cast %get3A_165 : vector<16xf32> to vector<1x16xf32>
      tpu.vector_store %arg8[%swap3A_166, %swap3A_167], %swap3A_170 {strides = array<i32>} : memref<800x64xf32, #tpu.memory_space<vmem>>, vector<1x16xf32>,
      %get3A_171 = arith.constant 8 : i32
      %get3A_172 = arith.index_cast %get3A_171 : i32 to index
      %get3A_173 = arith.constant 16 : index
      %get3A_174 = tpu.vector_load %arg10[%get3A_172, %get3A_173] {strides = array<i32>} : memref<16x64xf32, #tpu.memory_space<vmem>>, vector<1x16xf32>,
      %get3A_175 = vector.shape_cast %get3A_174 : vector<1x16xf32> to vector<16xf32>
      %swap3A_176 = arith.constant 8 : i32
      %swap3A_177 = arith.index_cast %swap3A_176 : i32 to index
      %swap3A_178 = arith.constant 16 : index
      %swap3A_179 = tpu.vector_load %arg8[%swap3A_177, %swap3A_178] {strides = array<i32>} : memref<800x64xf32, #tpu.memory_space<vmem>>, vector<1x16xf32>,
      %swap3A_180 = vector.shape_cast %swap3A_179 : vector<1x16xf32> to vector<16xf32>
      %swap3A_181 = vector.shape_cast %get3A_175 : vector<16xf32> to vector<1x16xf32>
      tpu.vector_store %arg8[%swap3A_177, %swap3A_178], %swap3A_181 {strides = array<i32>} : memref<800x64xf32, #tpu.memory_space<vmem>>, vector<1x16xf32>,
      %get3A_182 = arith.constant 8 : i32
      %get3A_183 = arith.index_cast %get3A_182 : i32 to index
      %get3A_184 = arith.constant 32 : index
      %get3A_185 = tpu.vector_load %arg10[%get3A_183, %get3A_184] {strides = array<i32>} : memref<16x64xf32, #tpu.memory_space<vmem>>, vector<1x16xf32>,
      %get3A_186 = vector.shape_cast %get3A_185 : vector<1x16xf32> to vector<16xf32>
      %swap3A_187 = arith.constant 8 : i32
      %swap3A_188 = arith.index_cast %swap3A_187 : i32 to index
      %swap3A_189 = arith.constant 32 : index
      %swap3A_190 = tpu.vector_load %arg8[%swap3A_188, %swap3A_189] {strides = array<i32>} : memref<800x64xf32, #tpu.memory_space<vmem>>, vector<1x16xf32>,
      %swap3A_191 = vector.shape_cast %swap3A_190 : vector<1x16xf32> to vector<16xf32>
      %swap3A_192 = vector.shape_cast %get3A_186 : vector<16xf32> to vector<1x16xf32>
      tpu.vector_store %arg8[%swap3A_188, %swap3A_189], %swap3A_192 {strides = array<i32>} : memref<800x64xf32, #tpu.memory_space<vmem>>, vector<1x16xf32>,
      %get3A_193 = arith.constant 8 : i32
      %get3A_194 = arith.index_cast %get3A_193 : i32 to index
      %get3A_195 = arith.constant 48 : index
      %get3A_196 = tpu.vector_load %arg10[%get3A_194, %get3A_195] {strides = array<i32>} : memref<16x64xf32, #tpu.memory_space<vmem>>, vector<1x16xf32>,
      %get3A_197 = vector.shape_cast %get3A_196 : vector<1x16xf32> to vector<16xf32>
      %swap3A_198 = arith.constant 8 : i32
      %swap3A_199 = arith.index_cast %swap3A_198 : i32 to index
      %swap3A_200 = arith.constant 48 : index
      %swap3A_201 = tpu.vector_load %arg8[%swap3A_199, %swap3A_200] {strides = array<i32>} : memref<800x64xf32, #tpu.memory_space<vmem>>, vector<1x16xf32>,
      %swap3A_202 = vector.shape_cast %swap3A_201 : vector<1x16xf32> to vector<16xf32>
      %swap3A_203 = vector.shape_cast %get3A_197 : vector<16xf32> to vector<1x16xf32>
      tpu.vector_store %arg8[%swap3A_199, %swap3A_200], %swap3A_203 {strides = array<i32>} : memref<800x64xf32, #tpu.memory_space<vmem>>, vector<1x16xf32>,
      %get3A_204 = arith.constant 9 : i32
      %get3A_205 = arith.index_cast %get3A_204 : i32 to index
      %get3A_206 = arith.constant 0 : index
      %get3A_207 = tpu.vector_load %arg10[%get3A_205, %get3A_206] {strides = array<i32>} : memref<16x64xf32, #tpu.memory_space<vmem>>, vector<1x16xf32>,
      %get3A_208 = vector.shape_cast %get3A_207 : vector<1x16xf32> to vector<16xf32>
      %swap3A_209 = arith.constant 9 : i32
      %swap3A_210 = arith.index_cast %swap3A_209 : i32 to index
      %swap3A_211 = arith.constant 0 : index
      %swap3A_212 = tpu.vector_load %arg8[%swap3A_210, %swap3A_211] {strides = array<i32>} : memref<800x64xf32, #tpu.memory_space<vmem>>, vector<1x16xf32>,
      %swap3A_213 = vector.shape_cast %swap3A_212 : vector<1x16xf32> to vector<16xf32>
      %swap3A_214 = vector.shape_cast %get3A_208 : vector<16xf32> to vector<1x16xf32>
      tpu.vector_store %arg8[%swap3A_210, %swap3A_211], %swap3A_214 {strides = array<i32>} : memref<800x64xf32, #tpu.memory_space<vmem>>, vector<1x16xf32>,
      %get3A_215 = arith.constant 9 : i32
      %get3A_216 = arith.index_cast %get3A_215 : i32 to index
      %get3A_217 = arith.constant 16 : index
      %get3A_218 = tpu.vector_load %arg10[%get3A_216, %get3A_217] {strides = array<i32>} : memref<16x64xf32, #tpu.memory_space<vmem>>, vector<1x16xf32>,
      %get3A_219 = vector.shape_cast %get3A_218 : vector<1x16xf32> to vector<16xf32>
      %swap3A_220 = arith.constant 9 : i32
      %swap3A_221 = arith.index_cast %swap3A_220 : i32 to index
      %swap3A_222 = arith.constant 16 : index
      %swap3A_223 = tpu.vector_load %arg8[%swap3A_221, %swap3A_222] {strides = array<i32>} : memref<800x64xf32, #tpu.memory_space<vmem>>, vector<1x16xf32>,
      %swap3A_224 = vector.shape_cast %swap3A_223 : vector<1x16xf32> to vector<16xf32>
      %swap3A_225 = vector.shape_cast %get3A_219 : vector<16xf32> to vector<1x16xf32>
      tpu.vector_store %arg8[%swap3A_221, %swap3A_222], %swap3A_225 {strides = array<i32>} : memref<800x64xf32, #tpu.memory_space<vmem>>, vector<1x16xf32>,
      %get3A_226 = arith.constant 9 : i32
      %get3A_227 = arith.index_cast %get3A_226 : i32 to index
      %get3A_228 = arith.constant 32 : index
      %get3A_229 = tpu.vector_load %arg10[%get3A_227, %get3A_228] {strides = array<i32>} : memref<16x64xf32, #tpu.memory_space<vmem>>, vector<1x16xf32>,
      %get3A_230 = vector.shape_cast %get3A_229 : vector<1x16xf32> to vector<16xf32>
      %swap3A_231 = arith.constant 9 : i32
      %swap3A_232 = arith.index_cast %swap3A_231 : i32 to index
      %swap3A_233 = arith.constant 32 : index
      %swap3A_234 = tpu.vector_load %arg8[%swap3A_232, %swap3A_233] {strides = array<i32>} : memref<800x64xf32, #tpu.memory_space<vmem>>, vector<1x16xf32>,
      %swap3A_235 = vector.shape_cast %swap3A_234 : vector<1x16xf32> to vector<16xf32>
      %swap3A_236 = vector.shape_cast %get3A_230 : vector<16xf32> to vector<1x16xf32>
      tpu.vector_store %arg8[%swap3A_232, %swap3A_233], %swap3A_236 {strides = array<i32>} : memref<800x64xf32, #tpu.memory_space<vmem>>, vector<1x16xf32>,
      %get3A_237 = arith.constant 9 : i32
      %get3A_238 = arith.index_cast %get3A_237 : i32 to index
      %get3A_239 = arith.constant 48 : index
      %get3A_240 = tpu.vector_load %arg10[%get3A_238, %get3A_239] {strides = array<i32>} : memref<16x64xf32, #tpu.memory_space<vmem>>, vector<1x16xf32>,
      %get3A_241 = vector.shape_cast %get3A_240 : vector<1x16xf32> to vector<16xf32>
      %swap3A_242 = arith.constant 9 : i32
      %swap3A_243 = arith.index_cast %swap3A_242 : i32 to index
      %swap3A_244 = arith.constant 48 : index
      %swap3A_245 = tpu.vector_load %arg8[%swap3A_243, %swap3A_244] {strides = array<i32>} : memref<800x64xf32, #tpu.memory_space<vmem>>, vector<1x16xf32>,
      %swap3A_246 = vector.shape_cast %swap3A_245 : vector<1x16xf32> to vector<16xf32>
      %swap3A_247 = vector.shape_cast %get3A_241 : vector<16xf32> to vector<1x16xf32>
      tpu.vector_store %arg8[%swap3A_243, %swap3A_244], %swap3A_247 {strides = array<i32>} : memref<800x64xf32, #tpu.memory_space<vmem>>, vector<1x16xf32>,
      %get3A_248 = arith.constant 8 : i32
      %get3A_249 = arith.index_cast %get3A_248 : i32 to index
      %get3A_250 = arith.constant 0 : index
      %get3A_251 = tpu.vector_load %arg10[%get3A_249, %get3A_250] {strides = array<i32>} : memref<16x64xf32, #tpu.memory_space<vmem>>, vector<1x16xf32>,
      %get3A_252 = vector.shape_cast %get3A_251 : vector<1x16xf32> to vector<16xf32>
      %swap3A_253 = arith.constant 208 : i32
      %swap3A_254 = arith.index_cast %swap3A_253 : i32 to index
      %swap3A_255 = arith.constant 0 : index
      %swap3A_256 = tpu.vector_load %arg8[%swap3A_254, %swap3A_255] {strides = array<i32>} : memref<800x64xf32, #tpu.memory_space<vmem>>, vector<1x16xf32>,
      %swap3A_257 = vector.shape_cast %swap3A_256 : vector<1x16xf32> to vector<16xf32>
      %swap3A_258 = vector.shape_cast %get3A_252 : vector<16xf32> to vector<1x16xf32>
      tpu.vector_store %arg8[%swap3A_254, %swap3A_255], %swap3A_258 {strides = array<i32>} : memref<800x64xf32, #tpu.memory_space<vmem>>, vector<1x16xf32>,
      %get3A_259 = arith.constant 8 : i32
      %get3A_260 = arith.index_cast %get3A_259 : i32 to index
      %get3A_261 = arith.constant 16 : index
      %get3A_262 = tpu.vector_load %arg10[%get3A_260, %get3A_261] {strides = array<i32>} : memref<16x64xf32, #tpu.memory_space<vmem>>, vector<1x16xf32>,
      %get3A_263 = vector.shape_cast %get3A_262 : vector<1x16xf32> to vector<16xf32>
      %swap3A_264 = arith.constant 208 : i32
      %swap3A_265 = arith.index_cast %swap3A_264 : i32 to index
      %swap3A_266 = arith.constant 16 : index
      %swap3A_267 = tpu.vector_load %arg8[%swap3A_265, %swap3A_266] {strides = array<i32>} : memref<800x64xf32, #tpu.memory_space<vmem>>, vector<1x16xf32>,
      %swap3A_268 = vector.shape_cast %swap3A_267 : vector<1x16xf32> to vector<16xf32>
      %swap3A_269 = vector.shape_cast %get3A_263 : vector<16xf32> to vector<1x16xf32>
      tpu.vector_store %arg8[%swap3A_265, %swap3A_266], %swap3A_269 {strides = array<i32>} : memref<800x64xf32, #tpu.memory_space<vmem>>, vector<1x16xf32>,
      %get3A_270 = arith.constant 8 : i32
      %get3A_271 = arith.index_cast %get3A_270 : i32 to index
      %get3A_272 = arith.constant 32 : index
      %get3A_273 = tpu.vector_load %arg10[%get3A_271, %get3A_272] {strides = array<i32>} : memref<16x64xf32, #tpu.memory_space<vmem>>, vector<1x16xf32>,
      %get3A_274 = vector.shape_cast %get3A_273 : vector<1x16xf32> to vector<16xf32>
      %swap3A_275 = arith.constant 208 : i32
      %swap3A_276 = arith.index_cast %swap3A_275 : i32 to index
      %swap3A_277 = arith.constant 32 : index
      %swap3A_278 = tpu.vector_load %arg8[%swap3A_276, %swap3A_277] {strides = array<i32>} : memref<800x64xf32, #tpu.memory_space<vmem>>, vector<1x16xf32>,
      %swap3A_279 = vector.shape_cast %swap3A_278 : vector<1x16xf32> to vector<16xf32>
      %swap3A_280 = vector.shape_cast %get3A_274 : vector<16xf32> to vector<1x16xf32>
      tpu.vector_store %arg8[%swap3A_276, %swap3A_277], %swap3A_280 {strides = array<i32>} : memref<800x64xf32, #tpu.memory_space<vmem>>, vector<1x16xf32>,
      %get3A_281 = arith.constant 8 : i32
      %get3A_282 = arith.index_cast %get3A_281 : i32 to index
      %get3A_283 = arith.constant 48 : index
      %get3A_284 = tpu.vector_load %arg10[%get3A_282, %get3A_283] {strides = array<i32>} : memref<16x64xf32, #tpu.memory_space<vmem>>, vector<1x16xf32>,
      %get3A_285 = vector.shape_cast %get3A_284 : vector<1x16xf32> to vector<16xf32>
      %swap3A_286 = arith.constant 208 : i32
      %swap3A_287 = arith.index_cast %swap3A_286 : i32 to index
      %swap3A_288 = arith.constant 48 : index
      %swap3A_289 = tpu.vector_load %arg8[%swap3A_287, %swap3A_288] {strides = array<i32>} : memref<800x64xf32, #tpu.memory_space<vmem>>, vector<1x16xf32>,
      %swap3A_290 = vector.shape_cast %swap3A_289 : vector<1x16xf32> to vector<16xf32>
      %swap3A_291 = vector.shape_cast %get3A_285 : vector<16xf32> to vector<1x16xf32>
      tpu.vector_store %arg8[%swap3A_287, %swap3A_288], %swap3A_291 {strides = array<i32>} : memref<800x64xf32, #tpu.memory_space<vmem>>, vector<1x16xf32>,
      %get3A_292 = arith.constant 9 : i32
      %get3A_293 = arith.index_cast %get3A_292 : i32 to index
      %get3A_294 = arith.constant 0 : index
      %get3A_295 = tpu.vector_load %arg10[%get3A_293, %get3A_294] {strides = array<i32>} : memref<16x64xf32, #tpu.memory_space<vmem>>, vector<1x16xf32>,
      %get3A_296 = vector.shape_cast %get3A_295 : vector<1x16xf32> to vector<16xf32>
      %swap3A_297 = arith.constant 209 : i32
      %swap3A_298 = arith.index_cast %swap3A_297 : i32 to index
      %swap3A_299 = arith.constant 0 : index
      %swap3A_300 = tpu.vector_load %arg8[%swap3A_298, %swap3A_299] {strides = array<i32>} : memref<800x64xf32, #tpu.memory_space<vmem>>, vector<1x16xf32>,
      %swap3A_301 = vector.shape_cast %swap3A_300 : vector<1x16xf32> to vector<16xf32>
      %swap3A_302 = vector.shape_cast %get3A_296 : vector<16xf32> to vector<1x16xf32>
      tpu.vector_store %arg8[%swap3A_298, %swap3A_299], %swap3A_302 {strides = array<i32>} : memref<800x64xf32, #tpu.memory_space<vmem>>, vector<1x16xf32>,
      %get3A_303 = arith.constant 9 : i32
      %get3A_304 = arith.index_cast %get3A_303 : i32 to index
      %get3A_305 = arith.constant 16 : index
      %get3A_306 = tpu.vector_load %arg10[%get3A_304, %get3A_305] {strides = array<i32>} : memref<16x64xf32, #tpu.memory_space<vmem>>, vector<1x16xf32>,
      %get3A_307 = vector.shape_cast %get3A_306 : vector<1x16xf32> to vector<16xf32>
      %swap3A_308 = arith.constant 209 : i32
      %swap3A_309 = arith.index_cast %swap3A_308 : i32 to index
      %swap3A_310 = arith.constant 16 : index
      %swap3A_311 = tpu.vector_load %arg8[%swap3A_309, %swap3A_310] {strides = array<i32>} : memref<800x64xf32, #tpu.memory_space<vmem>>, vector<1x16xf32>,
      %swap3A_312 = vector.shape_cast %swap3A_311 : vector<1x16xf32> to vector<16xf32>
      %swap3A_313 = vector.shape_cast %get3A_307 : vector<16xf32> to vector<1x16xf32>
      tpu.vector_store %arg8[%swap3A_309, %swap3A_310], %swap3A_313 {strides = array<i32>} : memref<800x64xf32, #tpu.memory_space<vmem>>, vector<1x16xf32>,
      %get3A_314 = arith.constant 9 : i32
      %get3A_315 = arith.index_cast %get3A_314 : i32 to index
      %get3A_316 = arith.constant 32 : index
      %get3A_317 = tpu.vector_load %arg10[%get3A_315, %get3A_316] {strides = array<i32>} : memref<16x64xf32, #tpu.memory_space<vmem>>, vector<1x16xf32>,
      %get3A_318 = vector.shape_cast %get3A_317 : vector<1x16xf32> to vector<16xf32>
      %swap3A_319 = arith.constant 209 : i32
      %swap3A_320 = arith.index_cast %swap3A_319 : i32 to index
      %swap3A_321 = arith.constant 32 : index
      %swap3A_322 = tpu.vector_load %arg8[%swap3A_320, %swap3A_321] {strides = array<i32>} : memref<800x64xf32, #tpu.memory_space<vmem>>, vector<1x16xf32>,
      %swap3A_323 = vector.shape_cast %swap3A_322 : vector<1x16xf32> to vector<16xf32>
      %swap3A_324 = vector.shape_cast %get3A_318 : vector<16xf32> to vector<1x16xf32>
      tpu.vector_store %arg8[%swap3A_320, %swap3A_321], %swap3A_324 {strides = array<i32>} : memref<800x64xf32, #tpu.memory_space<vmem>>, vector<1x16xf32>,
      %get3A_325 = arith.constant 9 : i32
      %get3A_326 = arith.index_cast %get3A_325 : i32 to index
      %get3A_327 = arith.constant 48 : index
      %get3A_328 = tpu.vector_load %arg10[%get3A_326, %get3A_327] {strides = array<i32>} : memref<16x64xf32, #tpu.memory_space<vmem>>, vector<1x16xf32>,
      %get3A_329 = vector.shape_cast %get3A_328 : vector<1x16xf32> to vector<16xf32>
      %swap3A_330 = arith.constant 209 : i32
      %swap3A_331 = arith.index_cast %swap3A_330 : i32 to index
      %swap3A_332 = arith.constant 48 : index
      %swap3A_333 = tpu.vector_load %arg8[%swap3A_331, %swap3A_332] {strides = array<i32>} : memref<800x64xf32, #tpu.memory_space<vmem>>, vector<1x16xf32>,
      %swap3A_334 = vector.shape_cast %swap3A_333 : vector<1x16xf32> to vector<16xf32>
      %swap3A_335 = vector.shape_cast %get3A_329 : vector<16xf32> to vector<1x16xf32>
      tpu.vector_store %arg8[%swap3A_331, %swap3A_332], %swap3A_335 {strides = array<i32>} : memref<800x64xf32, #tpu.memory_space<vmem>>, vector<1x16xf32>,
      %get3A_336 = arith.constant 8 : i32
      %get3A_337 = arith.index_cast %get3A_336 : i32 to index
      %get3A_338 = arith.constant 0 : index
      %get3A_339 = tpu.vector_load %arg10[%get3A_337, %get3A_338] {strides = array<i32>} : memref<16x64xf32, #tpu.memory_space<vmem>>, vector<1x16xf32>,
      %get3A_340 = vector.shape_cast %get3A_339 : vector<1x16xf32> to vector<16xf32>
      %swap3A_341 = arith.constant 408 : i32
      %swap3A_342 = arith.index_cast %swap3A_341 : i32 to index
      %swap3A_343 = arith.constant 0 : index
      %swap3A_344 = tpu.vector_load %arg8[%swap3A_342, %swap3A_343] {strides = array<i32>} : memref<800x64xf32, #tpu.memory_space<vmem>>, vector<1x16xf32>,
      %swap3A_345 = vector.shape_cast %swap3A_344 : vector<1x16xf32> to vector<16xf32>
      %swap3A_346 = vector.shape_cast %get3A_340 : vector<16xf32> to vector<1x16xf32>
      tpu.vector_store %arg8[%swap3A_342, %swap3A_343], %swap3A_346 {strides = array<i32>} : memref<800x64xf32, #tpu.memory_space<vmem>>, vector<1x16xf32>,
      %get3A_347 = arith.constant 8 : i32
      %get3A_348 = arith.index_cast %get3A_347 : i32 to index
      %get3A_349 = arith.constant 16 : index
      %get3A_350 = tpu.vector_load %arg10[%get3A_348, %get3A_349] {strides = array<i32>} : memref<16x64xf32, #tpu.memory_space<vmem>>, vector<1x16xf32>,
      %get3A_351 = vector.shape_cast %get3A_350 : vector<1x16xf32> to vector<16xf32>
      %swap3A_352 = arith.constant 408 : i32
      %swap3A_353 = arith.index_cast %swap3A_352 : i32 to index
      %swap3A_354 = arith.constant 16 : index
      %swap3A_355 = tpu.vector_load %arg8[%swap3A_353, %swap3A_354] {strides = array<i32>} : memref<800x64xf32, #tpu.memory_space<vmem>>, vector<1x16xf32>,
      %swap3A_356 = vector.shape_cast %swap3A_355 : vector<1x16xf32> to vector<16xf32>
      %swap3A_357 = vector.shape_cast %get3A_351 : vector<16xf32> to vector<1x16xf32>
      tpu.vector_store %arg8[%swap3A_353, %swap3A_354], %swap3A_357 {strides = array<i32>} : memref<800x64xf32, #tpu.memory_space<vmem>>, vector<1x16xf32>,
      %get3A_358 = arith.constant 8 : i32
      %get3A_359 = arith.index_cast %get3A_358 : i32 to index
      %get3A_360 = arith.constant 32 : index
      %get3A_361 = tpu.vector_load %arg10[%get3A_359, %get3A_360] {strides = array<i32>} : memref<16x64xf32, #tpu.memory_space<vmem>>, vector<1x16xf32>,
      %get3A_362 = vector.shape_cast %get3A_361 : vector<1x16xf32> to vector<16xf32>
      %swap3A_363 = arith.constant 408 : i32
      %swap3A_364 = arith.index_cast %swap3A_363 : i32 to index
      %swap3A_365 = arith.constant 32 : index
      %swap3A_366 = tpu.vector_load %arg8[%swap3A_364, %swap3A_365] {strides = array<i32>} : memref<800x64xf32, #tpu.memory_space<vmem>>, vector<1x16xf32>,
      %swap3A_367 = vector.shape_cast %swap3A_366 : vector<1x16xf32> to vector<16xf32>
      %swap3A_368 = vector.shape_cast %get3A_362 : vector<16xf32> to vector<1x16xf32>
      tpu.vector_store %arg8[%swap3A_364, %swap3A_365], %swap3A_368 {strides = array<i32>} : memref<800x64xf32, #tpu.memory_space<vmem>>, vector<1x16xf32>,
      %get3A_369 = arith.constant 8 : i32
      %get3A_370 = arith.index_cast %get3A_369 : i32 to index
      %get3A_371 = arith.constant 48 : index
      %get3A_372 = tpu.vector_load %arg10[%get3A_370, %get3A_371] {strides = array<i32>} : memref<16x64xf32, #tpu.memory_space<vmem>>, vector<1x16xf32>,
      %get3A_373 = vector.shape_cast %get3A_372 : vector<1x16xf32> to vector<16xf32>
      %swap3A_374 = arith.constant 408 : i32
      %swap3A_375 = arith.index_cast %swap3A_374 : i32 to index
      %swap3A_376 = arith.constant 48 : index
      %swap3A_377 = tpu.vector_load %arg8[%swap3A_375, %swap3A_376] {strides = array<i32>} : memref<800x64xf32, #tpu.memory_space<vmem>>, vector<1x16xf32>,
      %swap3A_378 = vector.shape_cast %swap3A_377 : vector<1x16xf32> to vector<16xf32>
      %swap3A_379 = vector.shape_cast %get3A_373 : vector<16xf32> to vector<1x16xf32>
      tpu.vector_store %arg8[%swap3A_375, %swap3A_376], %swap3A_379 {strides = array<i32>} : memref<800x64xf32, #tpu.memory_space<vmem>>, vector<1x16xf32>,
      %get3A_380 = arith.constant 9 : i32
      %get3A_381 = arith.index_cast %get3A_380 : i32 to index
      %get3A_382 = arith.constant 0 : index
      %get3A_383 = tpu.vector_load %arg10[%get3A_381, %get3A_382] {strides = array<i32>} : memref<16x64xf32, #tpu.memory_space<vmem>>, vector<1x16xf32>,
      %get3A_384 = vector.shape_cast %get3A_383 : vector<1x16xf32> to vector<16xf32>
      %swap3A_385 = arith.constant 409 : i32
      %swap3A_386 = arith.index_cast %swap3A_385 : i32 to index
      %swap3A_387 = arith.constant 0 : index
      %swap3A_388 = tpu.vector_load %arg8[%swap3A_386, %swap3A_387] {strides = array<i32>} : memref<800x64xf32, #tpu.memory_space<vmem>>, vector<1x16xf32>,
      %swap3A_389 = vector.shape_cast %swap3A_388 : vector<1x16xf32> to vector<16xf32>
      %swap3A_390 = vector.shape_cast %get3A_384 : vector<16xf32> to vector<1x16xf32>
      tpu.vector_store %arg8[%swap3A_386, %swap3A_387], %swap3A_390 {strides = array<i32>} : memref<800x64xf32, #tpu.memory_space<vmem>>, vector<1x16xf32>,
      %get3A_391 = arith.constant 9 : i32
      %get3A_392 = arith.index_cast %get3A_391 : i32 to index
      %get3A_393 = arith.constant 16 : index
      %get3A_394 = tpu.vector_load %arg10[%get3A_392, %get3A_393] {strides = array<i32>} : memref<16x64xf32, #tpu.memory_space<vmem>>, vector<1x16xf32>,
      %get3A_395 = vector.shape_cast %get3A_394 : vector<1x16xf32> to vector<16xf32>
      %swap3A_396 = arith.constant 409 : i32
      %swap3A_397 = arith.index_cast %swap3A_396 : i32 to index
      %swap3A_398 = arith.constant 16 : index
      %swap3A_399 = tpu.vector_load %arg8[%swap3A_397, %swap3A_398] {strides = array<i32>} : memref<800x64xf32, #tpu.memory_space<vmem>>, vector<1x16xf32>,
      %swap3A_400 = vector.shape_cast %swap3A_399 : vector<1x16xf32> to vector<16xf32>
      %swap3A_401 = vector.shape_cast %get3A_395 : vector<16xf32> to vector<1x16xf32>
      tpu.vector_store %arg8[%swap3A_397, %swap3A_398], %swap3A_401 {strides = array<i32>} : memref<800x64xf32, #tpu.memory_space<vmem>>, vector<1x16xf32>,
      %get3A_402 = arith.constant 9 : i32
      %get3A_403 = arith.index_cast %get3A_402 : i32 to index
      %get3A_404 = arith.constant 32 : index
      %get3A_405 = tpu.vector_load %arg10[%get3A_403, %get3A_404] {strides = array<i32>} : memref<16x64xf32, #tpu.memory_space<vmem>>, vector<1x16xf32>,
      %get3A_406 = vector.shape_cast %get3A_405 : vector<1x16xf32> to vector<16xf32>
      %swap3A_407 = arith.constant 409 : i32
      %swap3A_408 = arith.index_cast %swap3A_407 : i32 to index
      %swap3A_409 = arith.constant 32 : index
      %swap3A_410 = tpu.vector_load %arg8[%swap3A_408, %swap3A_409] {strides = array<i32>} : memref<800x64xf32, #tpu.memory_space<vmem>>, vector<1x16xf32>,
      %swap3A_411 = vector.shape_cast %swap3A_410 : vector<1x16xf32> to vector<16xf32>
      %swap3A_412 = vector.shape_cast %get3A_406 : vector<16xf32> to vector<1x16xf32>
      tpu.vector_store %arg8[%swap3A_408, %swap3A_409], %swap3A_412 {strides = array<i32>} : memref<800x64xf32, #tpu.memory_space<vmem>>, vector<1x16xf32>,
      %get3A_413 = arith.constant 9 : i32
      %get3A_414 = arith.index_cast %get3A_413 : i32 to index
      %get3A_415 = arith.constant 48 : index
      %get3A_416 = tpu.vector_load %arg10[%get3A_414, %get3A_415] {strides = array<i32>} : memref<16x64xf32, #tpu.memory_space<vmem>>, vector<1x16xf32>,
      %get3A_417 = vector.shape_cast %get3A_416 : vector<1x16xf32> to vector<16xf32>
      %swap3A_418 = arith.constant 409 : i32
      %swap3A_419 = arith.index_cast %swap3A_418 : i32 to index
      %swap3A_420 = arith.constant 48 : index
      %swap3A_421 = tpu.vector_load %arg8[%swap3A_419, %swap3A_420] {strides = array<i32>} : memref<800x64xf32, #tpu.memory_space<vmem>>, vector<1x16xf32>,
      %swap3A_422 = vector.shape_cast %swap3A_421 : vector<1x16xf32> to vector<16xf32>
      %swap3A_423 = vector.shape_cast %get3A_417 : vector<16xf32> to vector<1x16xf32>
      tpu.vector_store %arg8[%swap3A_419, %swap3A_420], %swap3A_423 {strides = array<i32>} : memref<800x64xf32, #tpu.memory_space<vmem>>, vector<1x16xf32>,
      %get3A_424 = arith.constant 8 : i32
      %get3A_425 = arith.index_cast %get3A_424 : i32 to index
      %get3A_426 = arith.constant 0 : index
      %get3A_427 = tpu.vector_load %arg10[%get3A_425, %get3A_426] {strides = array<i32>} : memref<16x64xf32, #tpu.memory_space<vmem>>, vector<1x16xf32>,
      %get3A_428 = vector.shape_cast %get3A_427 : vector<1x16xf32> to vector<16xf32>
      %swap3A_429 = arith.constant 608 : i32
      %swap3A_430 = arith.index_cast %swap3A_429 : i32 to index
      %swap3A_431 = arith.constant 0 : index
      %swap3A_432 = tpu.vector_load %arg8[%swap3A_430, %swap3A_431] {strides = array<i32>} : memref<800x64xf32, #tpu.memory_space<vmem>>, vector<1x16xf32>,
      %swap3A_433 = vector.shape_cast %swap3A_432 : vector<1x16xf32> to vector<16xf32>
      %swap3A_434 = vector.shape_cast %get3A_428 : vector<16xf32> to vector<1x16xf32>
      tpu.vector_store %arg8[%swap3A_430, %swap3A_431], %swap3A_434 {strides = array<i32>} : memref<800x64xf32, #tpu.memory_space<vmem>>, vector<1x16xf32>,
      %get3A_435 = arith.constant 8 : i32
      %get3A_436 = arith.index_cast %get3A_435 : i32 to index
      %get3A_437 = arith.constant 16 : index
      %get3A_438 = tpu.vector_load %arg10[%get3A_436, %get3A_437] {strides = array<i32>} : memref<16x64xf32, #tpu.memory_space<vmem>>, vector<1x16xf32>,
      %get3A_439 = vector.shape_cast %get3A_438 : vector<1x16xf32> to vector<16xf32>
      %swap3A_440 = arith.constant 608 : i32
      %swap3A_441 = arith.index_cast %swap3A_440 : i32 to index
      %swap3A_442 = arith.constant 16 : index
      %swap3A_443 = tpu.vector_load %arg8[%swap3A_441, %swap3A_442] {strides = array<i32>} : memref<800x64xf32, #tpu.memory_space<vmem>>, vector<1x16xf32>,
      %swap3A_444 = vector.shape_cast %swap3A_443 : vector<1x16xf32> to vector<16xf32>
      %swap3A_445 = vector.shape_cast %get3A_439 : vector<16xf32> to vector<1x16xf32>
      tpu.vector_store %arg8[%swap3A_441, %swap3A_442], %swap3A_445 {strides = array<i32>} : memref<800x64xf32, #tpu.memory_space<vmem>>, vector<1x16xf32>,
      %get3A_446 = arith.constant 8 : i32
      %get3A_447 = arith.index_cast %get3A_446 : i32 to index
      %get3A_448 = arith.constant 32 : index
      %get3A_449 = tpu.vector_load %arg10[%get3A_447, %get3A_448] {strides = array<i32>} : memref<16x64xf32, #tpu.memory_space<vmem>>, vector<1x16xf32>,
      %get3A_450 = vector.shape_cast %get3A_449 : vector<1x16xf32> to vector<16xf32>
      %swap3A_451 = arith.constant 608 : i32
      %swap3A_452 = arith.index_cast %swap3A_451 : i32 to index
      %swap3A_453 = arith.constant 32 : index
      %swap3A_454 = tpu.vector_load %arg8[%swap3A_452, %swap3A_453] {strides = array<i32>} : memref<800x64xf32, #tpu.memory_space<vmem>>, vector<1x16xf32>,
      %swap3A_455 = vector.shape_cast %swap3A_454 : vector<1x16xf32> to vector<16xf32>
      %swap3A_456 = vector.shape_cast %get3A_450 : vector<16xf32> to vector<1x16xf32>
      tpu.vector_store %arg8[%swap3A_452, %swap3A_453], %swap3A_456 {strides = array<i32>} : memref<800x64xf32, #tpu.memory_space<vmem>>, vector<1x16xf32>,
      %get3A_457 = arith.constant 8 : i32
      %get3A_458 = arith.index_cast %get3A_457 : i32 to index
      %get3A_459 = arith.constant 48 : index
      %get3A_460 = tpu.vector_load %arg10[%get3A_458, %get3A_459] {strides = array<i32>} : memref<16x64xf32, #tpu.memory_space<vmem>>, vector<1x16xf32>,
      %get3A_461 = vector.shape_cast %get3A_460 : vector<1x16xf32> to vector<16xf32>
      %swap3A_462 = arith.constant 608 : i32
      %swap3A_463 = arith.index_cast %swap3A_462 : i32 to index
      %swap3A_464 = arith.constant 48 : index
      %swap3A_465 = tpu.vector_load %arg8[%swap3A_463, %swap3A_464] {strides = array<i32>} : memref<800x64xf32, #tpu.memory_space<vmem>>, vector<1x16xf32>,
      %swap3A_466 = vector.shape_cast %swap3A_465 : vector<1x16xf32> to vector<16xf32>
      %swap3A_467 = vector.shape_cast %get3A_461 : vector<16xf32> to vector<1x16xf32>
      tpu.vector_store %arg8[%swap3A_463, %swap3A_464], %swap3A_467 {strides = array<i32>} : memref<800x64xf32, #tpu.memory_space<vmem>>, vector<1x16xf32>,
      %get3A_468 = arith.constant 9 : i32
      %get3A_469 = arith.index_cast %get3A_468 : i32 to index
      %get3A_470 = arith.constant 0 : index
      %get3A_471 = tpu.vector_load %arg10[%get3A_469, %get3A_470] {strides = array<i32>} : memref<16x64xf32, #tpu.memory_space<vmem>>, vector<1x16xf32>,
      %get3A_472 = vector.shape_cast %get3A_471 : vector<1x16xf32> to vector<16xf32>
      %swap3A_473 = arith.constant 609 : i32
      %swap3A_474 = arith.index_cast %swap3A_473 : i32 to index
      %swap3A_475 = arith.constant 0 : index
      %swap3A_476 = tpu.vector_load %arg8[%swap3A_474, %swap3A_475] {strides = array<i32>} : memref<800x64xf32, #tpu.memory_space<vmem>>, vector<1x16xf32>,
      %swap3A_477 = vector.shape_cast %swap3A_476 : vector<1x16xf32> to vector<16xf32>
      %swap3A_478 = vector.shape_cast %get3A_472 : vector<16xf32> to vector<1x16xf32>
      tpu.vector_store %arg8[%swap3A_474, %swap3A_475], %swap3A_478 {strides = array<i32>} : memref<800x64xf32, #tpu.memory_space<vmem>>, vector<1x16xf32>,
      %get3A_479 = arith.constant 9 : i32
      %get3A_480 = arith.index_cast %get3A_479 : i32 to index
      %get3A_481 = arith.constant 16 : index
      %get3A_482 = tpu.vector_load %arg10[%get3A_480, %get3A_481] {strides = array<i32>} : memref<16x64xf32, #tpu.memory_space<vmem>>, vector<1x16xf32>,
      %get3A_483 = vector.shape_cast %get3A_482 : vector<1x16xf32> to vector<16xf32>
      %swap3A_484 = arith.constant 609 : i32
      %swap3A_485 = arith.index_cast %swap3A_484 : i32 to index
      %swap3A_486 = arith.constant 16 : index
      %swap3A_487 = tpu.vector_load %arg8[%swap3A_485, %swap3A_486] {strides = array<i32>} : memref<800x64xf32, #tpu.memory_space<vmem>>, vector<1x16xf32>,
      %swap3A_488 = vector.shape_cast %swap3A_487 : vector<1x16xf32> to vector<16xf32>
      %swap3A_489 = vector.shape_cast %get3A_483 : vector<16xf32> to vector<1x16xf32>
      tpu.vector_store %arg8[%swap3A_485, %swap3A_486], %swap3A_489 {strides = array<i32>} : memref<800x64xf32, #tpu.memory_space<vmem>>, vector<1x16xf32>,
      %get3A_490 = arith.constant 9 : i32
      %get3A_491 = arith.index_cast %get3A_490 : i32 to index
      %get3A_492 = arith.constant 32 : index
      %get3A_493 = tpu.vector_load %arg10[%get3A_491, %get3A_492] {strides = array<i32>} : memref<16x64xf32, #tpu.memory_space<vmem>>, vector<1x16xf32>,
      %get3A_494 = vector.shape_cast %get3A_493 : vector<1x16xf32> to vector<16xf32>
      %swap3A_495 = arith.constant 609 : i32
      %swap3A_496 = arith.index_cast %swap3A_495 : i32 to index
      %swap3A_497 = arith.constant 32 : index
      %swap3A_498 = tpu.vector_load %arg8[%swap3A_496, %swap3A_497] {strides = array<i32>} : memref<800x64xf32, #tpu.memory_space<vmem>>, vector<1x16xf32>,
      %swap3A_499 = vector.shape_cast %swap3A_498 : vector<1x16xf32> to vector<16xf32>
      %swap3A_500 = vector.shape_cast %get3A_494 : vector<16xf32> to vector<1x16xf32>
      tpu.vector_store %arg8[%swap3A_496, %swap3A_497], %swap3A_500 {strides = array<i32>} : memref<800x64xf32, #tpu.memory_space<vmem>>, vector<1x16xf32>,
      %get3A_501 = arith.constant 9 : i32
      %get3A_502 = arith.index_cast %get3A_501 : i32 to index
      %get3A_503 = arith.constant 48 : index
      %get3A_504 = tpu.vector_load %arg10[%get3A_502, %get3A_503] {strides = array<i32>} : memref<16x64xf32, #tpu.memory_space<vmem>>, vector<1x16xf32>,
      %get3A_505 = vector.shape_cast %get3A_504 : vector<1x16xf32> to vector<16xf32>
      %swap3A_506 = arith.constant 609 : i32
      %swap3A_507 = arith.index_cast %swap3A_506 : i32 to index
      %swap3A_508 = arith.constant 48 : index
      %swap3A_509 = tpu.vector_load %arg8[%swap3A_507, %swap3A_508] {strides = array<i32>} : memref<800x64xf32, #tpu.memory_space<vmem>>, vector<1x16xf32>,
      %swap3A_510 = vector.shape_cast %swap3A_509 : vector<1x16xf32> to vector<16xf32>
      %swap3A_511 = vector.shape_cast %get3A_505 : vector<16xf32> to vector<1x16xf32>
      tpu.vector_store %arg8[%swap3A_507, %swap3A_508], %swap3A_511 {strides = array<i32>} : memref<800x64xf32, #tpu.memory_space<vmem>>, vector<1x16xf32>,
      %mul3A_512 = arith.constant 200 : i32
      %mul3A_513 = arith.muli %add3A_37, %mul3A_512 : i32
      %dma_start3A_514 = arith.constant 0 : i32
      %dma_start3A_515 = tpu.memref_slice %arg5[%mul3A_513, %dma_start3A_514] : memref<819200x64xf32, #tpu.memory_space<hbm>> -> memref<800x64xf32, #tpu.memory_space<hbm>>
      %dma_start3A_516 = arith.constant 0 : i32
      %dma_start3A_517 = tpu.memref_slice %arg5[%mul3A_513, %dma_start3A_516] : memref<819200x64xf32, #tpu.memory_space<hbm>> -> memref<800x64xf32, #tpu.memory_space<hbm>>
      tpu.enqueue_dma source(%arg8 : memref<800x64xf32, #tpu.memory_space<vmem>>) target(%dma_start3A_517 : memref<800x64xf32, #tpu.memory_space<hbm>>) target_semaphore(%arg15 : memref<!tpu.dma_semaphore, #tpu.memory_space<semaphore_mem>>)
      %add3A_518 = arith.constant 1 : i32
      %add3A_519 = arith.addi %mul3A_32, %add3A_518 : i32
      %mul3A_520 = arith.constant 4 : i32
      %mul3A_521 = arith.muli %add3A_519, %mul3A_520 : i32
      %add3A_522 = arith.addi %mul3A_2, %mul3A_521 : i32
      %dma_wait3A_523 = arith.constant 0 : i32
      %dma_wait3A_524 = tpu.memref_slice %arg2[%dma_wait3A_523] : memref<819200xi32, #tpu.memory_space<hbm>> -> memref<800xi32, #tpu.memory_space<hbm>>
      %dma_wait3A_525 = arith.constant 0 : i32
      %dma_wait3A_526 = tpu.memref_slice %arg2[%dma_wait3A_525] : memref<819200xi32, #tpu.memory_space<hbm>> -> memref<800xi32, #tpu.memory_space<hbm>>
      tpu.wait_dma2 semaphore(%arg12 : memref<!tpu.dma_semaphore, #tpu.memory_space<semaphore_mem>>) src(%dma_wait3A_526 : memref<800xi32, #tpu.memory_space<hbm>>) dst(%arg7 : memref<800xi32, #tpu.memory_space<vmem>>)
      %ge3A_527 = arith.constant 2 : i32
      %ge3A_528 = arith.cmpi sge, %add3A_519, %ge3A_527 : i32
      %convert_element_type3A_529 = arith.extui %ge3A_528 : i1 to i32
      %cond3A_530 = arith.constant 0 : i32
      %cond3A_531 = arith.cmpi ne, %convert_element_type3A_529, %cond3A_530 : i32
      scf.if %cond3A_531 {
        %dma_wait3A_1009 = arith.constant 0 : i32
        %dma_wait3A_1010 = arith.constant 0 : i32
        %dma_wait3A_1011 = tpu.memref_slice %arg5[%dma_wait3A_1009, %dma_wait3A_1010] : memref<819200x64xf32, #tpu.memory_space<hbm>> -> memref<800x64xf32, #tpu.memory_space<hbm>>
        %dma_wait3A_1012 = arith.constant 0 : i32
        %dma_wait3A_1013 = arith.constant 0 : i32
        %dma_wait3A_1014 = tpu.memref_slice %arg5[%dma_wait3A_1012, %dma_wait3A_1013] : memref<819200x64xf32, #tpu.memory_space<hbm>> -> memref<800x64xf32, #tpu.memory_space<hbm>>
        tpu.wait_dma2 semaphore(%arg16 : memref<!tpu.dma_semaphore, #tpu.memory_space<semaphore_mem>>) src(%arg9 : memref<800x64xf32, #tpu.memory_space<vmem>>) dst(%dma_wait3A_1014 : memref<800x64xf32, #tpu.memory_space<hbm>>)
      } else {
      }
      %dma_start3A_532 = arith.constant 8 : i32
      %dma_start3A_533 = arith.constant 0 : i32
      %dma_start3A_534 = tpu.memref_slice %arg9[%dma_start3A_532, %dma_start3A_533] : memref<800x64xf32, #tpu.memory_space<vmem>> -> memref<96x64xf32, #tpu.memory_space<vmem>>
      %dma_start3A_535 = arith.constant 8 : i32
      %dma_start3A_536 = tpu.memref_slice %arg7[%dma_start3A_535] : memref<800xi32, #tpu.memory_space<vmem>> -> memref<96xi32, #tpu.memory_space<vmem>>
      %dma_start3A_537 = arith.constant 0 : i32
      %dma_start3A_538 = arith.constant 0 : i32
      %dma_start3A_539 = tpu.memref_slice %arg3[%dma_start3A_537, %dma_start3A_538] : memref<1000000x64xf32, #tpu.memory_space<hbm>> -> memref<1000000x64xf32, #tpu.memory_space<hbm>>
      tpu.enqueue_indirect_dma source(%dma_start3A_539 : memref<1000000x64xf32, #tpu.memory_space<hbm>>) target(%dma_start3A_534 : memref<96x64xf32, #tpu.memory_space<vmem>>) offsets(%dma_start3A_536 : memref<96xi32, #tpu.memory_space<vmem>>) semaphore(%arg14 : memref<!tpu.dma_semaphore, #tpu.memory_space<semaphore_mem>>)
      %dma_start3A_540 = arith.constant 104 : i32
      %dma_start3A_541 = arith.constant 0 : i32
      %dma_start3A_542 = tpu.memref_slice %arg9[%dma_start3A_540, %dma_start3A_541] : memref<800x64xf32, #tpu.memory_space<vmem>> -> memref<96x64xf32, #tpu.memory_space<vmem>>
      %dma_start3A_543 = arith.constant 104 : i32
      %dma_start3A_544 = tpu.memref_slice %arg7[%dma_start3A_543] : memref<800xi32, #tpu.memory_space<vmem>> -> memref<96xi32, #tpu.memory_space<vmem>>
      %dma_start3A_545 = arith.constant 0 : i32
      %dma_start3A_546 = arith.constant 0 : i32
      %dma_start3A_547 = tpu.memref_slice %arg3[%dma_start3A_545, %dma_start3A_546] : memref<1000000x64xf32, #tpu.memory_space<hbm>> -> memref<1000000x64xf32, #tpu.memory_space<hbm>>
      tpu.enqueue_indirect_dma source(%dma_start3A_547 : memref<1000000x64xf32, #tpu.memory_space<hbm>>) target(%dma_start3A_542 : memref<96x64xf32, #tpu.memory_space<vmem>>) offsets(%dma_start3A_544 : memref<96xi32, #tpu.memory_space<vmem>>) semaphore(%arg14 : memref<!tpu.dma_semaphore, #tpu.memory_space<semaphore_mem>>)
      %dma_start3A_548 = arith.constant 208 : i32
      %dma_start3A_549 = arith.constant 0 : i32
      %dma_start3A_550 = tpu.memref_slice %arg9[%dma_start3A_548, %dma_start3A_549] : memref<800x64xf32, #tpu.memory_space<vmem>> -> memref<96x64xf32, #tpu.memory_space<vmem>>
      %dma_start3A_551 = arith.constant 208 : i32
      %dma_start3A_552 = tpu.memref_slice %arg7[%dma_start3A_551] : memref<800xi32, #tpu.memory_space<vmem>> -> memref<96xi32, #tpu.memory_space<vmem>>
      %dma_start3A_553 = arith.constant 0 : i32
      %dma_start3A_554 = arith.constant 0 : i32
      %dma_start3A_555 = tpu.memref_slice %arg3[%dma_start3A_553, %dma_start3A_554] : memref<1000000x64xf32, #tpu.memory_space<hbm>> -> memref<1000000x64xf32, #tpu.memory_space<hbm>>
      tpu.enqueue_indirect_dma source(%dma_start3A_555 : memref<1000000x64xf32, #tpu.memory_space<hbm>>) target(%dma_start3A_550 : memref<96x64xf32, #tpu.memory_space<vmem>>) offsets(%dma_start3A_552 : memref<96xi32, #tpu.memory_space<vmem>>) semaphore(%arg14 : memref<!tpu.dma_semaphore, #tpu.memory_space<semaphore_mem>>)
      %dma_start3A_556 = arith.constant 304 : i32
      %dma_start3A_557 = arith.constant 0 : i32
      %dma_start3A_558 = tpu.memref_slice %arg9[%dma_start3A_556, %dma_start3A_557] : memref<800x64xf32, #tpu.memory_space<vmem>> -> memref<96x64xf32, #tpu.memory_space<vmem>>
      %dma_start3A_559 = arith.constant 304 : i32
      %dma_start3A_560 = tpu.memref_slice %arg7[%dma_start3A_559] : memref<800xi32, #tpu.memory_space<vmem>> -> memref<96xi32, #tpu.memory_space<vmem>>
      %dma_start3A_561 = arith.constant 0 : i32
      %dma_start3A_562 = arith.constant 0 : i32
      %dma_start3A_563 = tpu.memref_slice %arg3[%dma_start3A_561, %dma_start3A_562] : memref<1000000x64xf32, #tpu.memory_space<hbm>> -> memref<1000000x64xf32, #tpu.memory_space<hbm>>
      tpu.enqueue_indirect_dma source(%dma_start3A_563 : memref<1000000x64xf32, #tpu.memory_space<hbm>>) target(%dma_start3A_558 : memref<96x64xf32, #tpu.memory_space<vmem>>) offsets(%dma_start3A_560 : memref<96xi32, #tpu.memory_space<vmem>>) semaphore(%arg14 : memref<!tpu.dma_semaphore, #tpu.memory_space<semaphore_mem>>)
      %dma_start3A_564 = arith.constant 408 : i32
      %dma_start3A_565 = arith.constant 0 : i32
      %dma_start3A_566 = tpu.memref_slice %arg9[%dma_start3A_564, %dma_start3A_565] : memref<800x64xf32, #tpu.memory_space<vmem>> -> memref<96x64xf32, #tpu.memory_space<vmem>>
      %dma_start3A_567 = arith.constant 408 : i32
      %dma_start3A_568 = tpu.memref_slice %arg7[%dma_start3A_567] : memref<800xi32, #tpu.memory_space<vmem>> -> memref<96xi32, #tpu.memory_space<vmem>>
      %dma_start3A_569 = arith.constant 0 : i32
      %dma_start3A_570 = arith.constant 0 : i32
      %dma_start3A_571 = tpu.memref_slice %arg3[%dma_start3A_569, %dma_start3A_570] : memref<1000000x64xf32, #tpu.memory_space<hbm>> -> memref<1000000x64xf32, #tpu.memory_space<hbm>>
      tpu.enqueue_indirect_dma source(%dma_start3A_571 : memref<1000000x64xf32, #tpu.memory_space<hbm>>) target(%dma_start3A_566 : memref<96x64xf32, #tpu.memory_space<vmem>>) offsets(%dma_start3A_568 : memref<96xi32, #tpu.memory_space<vmem>>) semaphore(%arg14 : memref<!tpu.dma_semaphore, #tpu.memory_space<semaphore_mem>>)
      %dma_start3A_572 = arith.constant 504 : i32
      %dma_start3A_573 = arith.constant 0 : i32
      %dma_start3A_574 = tpu.memref_slice %arg9[%dma_start3A_572, %dma_start3A_573] : memref<800x64xf32, #tpu.memory_space<vmem>> -> memref<96x64xf32, #tpu.memory_space<vmem>>
      %dma_start3A_575 = arith.constant 504 : i32
      %dma_start3A_576 = tpu.memref_slice %arg7[%dma_start3A_575] : memref<800xi32, #tpu.memory_space<vmem>> -> memref<96xi32, #tpu.memory_space<vmem>>
      %dma_start3A_577 = arith.constant 0 : i32
      %dma_start3A_578 = arith.constant 0 : i32
      %dma_start3A_579 = tpu.memref_slice %arg3[%dma_start3A_577, %dma_start3A_578] : memref<1000000x64xf32, #tpu.memory_space<hbm>> -> memref<1000000x64xf32, #tpu.memory_space<hbm>>
      tpu.enqueue_indirect_dma source(%dma_start3A_579 : memref<1000000x64xf32, #tpu.memory_space<hbm>>) target(%dma_start3A_574 : memref<96x64xf32, #tpu.memory_space<vmem>>) offsets(%dma_start3A_576 : memref<96xi32, #tpu.memory_space<vmem>>) semaphore(%arg14 : memref<!tpu.dma_semaphore, #tpu.memory_space<semaphore_mem>>)
      %dma_start3A_580 = arith.constant 608 : i32
      %dma_start3A_581 = arith.constant 0 : i32
      %dma_start3A_582 = tpu.memref_slice %arg9[%dma_start3A_580, %dma_start3A_581] : memref<800x64xf32, #tpu.memory_space<vmem>> -> memref<96x64xf32, #tpu.memory_space<vmem>>
      %dma_start3A_583 = arith.constant 608 : i32
      %dma_start3A_584 = tpu.memref_slice %arg7[%dma_start3A_583] : memref<800xi32, #tpu.memory_space<vmem>> -> memref<96xi32, #tpu.memory_space<vmem>>
      %dma_start3A_585 = arith.constant 0 : i32
      %dma_start3A_586 = arith.constant 0 : i32
      %dma_start3A_587 = tpu.memref_slice %arg3[%dma_start3A_585, %dma_start3A_586] : memref<1000000x64xf32, #tpu.memory_space<hbm>> -> memref<1000000x64xf32, #tpu.memory_space<hbm>>
      tpu.enqueue_indirect_dma source(%dma_start3A_587 : memref<1000000x64xf32, #tpu.memory_space<hbm>>) target(%dma_start3A_582 : memref<96x64xf32, #tpu.memory_space<vmem>>) offsets(%dma_start3A_584 : memref<96xi32, #tpu.memory_space<vmem>>) semaphore(%arg14 : memref<!tpu.dma_semaphore, #tpu.memory_space<semaphore_mem>>)
      %dma_start3A_588 = arith.constant 704 : i32
      %dma_start3A_589 = arith.constant 0 : i32
      %dma_start3A_590 = tpu.memref_slice %arg9[%dma_start3A_588, %dma_start3A_589] : memref<800x64xf32, #tpu.memory_space<vmem>> -> memref<96x64xf32, #tpu.memory_space<vmem>>
      %dma_start3A_591 = arith.constant 704 : i32
      %dma_start3A_592 = tpu.memref_slice %arg7[%dma_start3A_591] : memref<800xi32, #tpu.memory_space<vmem>> -> memref<96xi32, #tpu.memory_space<vmem>>
      %dma_start3A_593 = arith.constant 0 : i32
      %dma_start3A_594 = arith.constant 0 : i32
      %dma_start3A_595 = tpu.memref_slice %arg3[%dma_start3A_593, %dma_start3A_594] : memref<1000000x64xf32, #tpu.memory_space<hbm>> -> memref<1000000x64xf32, #tpu.memory_space<hbm>>
      tpu.enqueue_indirect_dma source(%dma_start3A_595 : memref<1000000x64xf32, #tpu.memory_space<hbm>>) target(%dma_start3A_590 : memref<96x64xf32, #tpu.memory_space<vmem>>) offsets(%dma_start3A_592 : memref<96xi32, #tpu.memory_space<vmem>>) semaphore(%arg14 : memref<!tpu.dma_semaphore, #tpu.memory_space<semaphore_mem>>)
      %dma_wait3A_596 = arith.constant 8 : i32
      %dma_wait3A_597 = arith.constant 0 : i32
      %dma_wait3A_598 = tpu.memref_slice %arg9[%dma_wait3A_596, %dma_wait3A_597] : memref<800x64xf32, #tpu.memory_space<vmem>> -> memref<192x64xf32, #tpu.memory_space<vmem>>
      %dma_wait3A_599 = arith.constant 0 : i32
      %dma_wait3A_600 = arith.constant 0 : i32
      %dma_wait3A_601 = tpu.memref_slice %arg3[%dma_wait3A_599, %dma_wait3A_600] : memref<1000000x64xf32, #tpu.memory_space<hbm>> -> memref<192x64xf32, #tpu.memory_space<hbm>>
      %dma_wait3A_602 = arith.constant 8 : i32
      %dma_wait3A_603 = arith.constant 0 : i32
      %dma_wait3A_604 = tpu.memref_slice %arg9[%dma_wait3A_602, %dma_wait3A_603] : memref<800x64xf32, #tpu.memory_space<vmem>> -> memref<192x64xf32, #tpu.memory_space<vmem>>
      %dma_wait3A_605 = arith.constant 0 : i32
      %dma_wait3A_606 = arith.constant 0 : i32
      %dma_wait3A_607 = tpu.memref_slice %arg3[%dma_wait3A_605, %dma_wait3A_606] : memref<1000000x64xf32, #tpu.memory_space<hbm>> -> memref<192x64xf32, #tpu.memory_space<hbm>>
      tpu.wait_dma2 semaphore(%arg14 : memref<!tpu.dma_semaphore, #tpu.memory_space<semaphore_mem>>) src(%dma_wait3A_607 : memref<192x64xf32, #tpu.memory_space<hbm>>) dst(%dma_wait3A_604 : memref<192x64xf32, #tpu.memory_space<vmem>>)
      %dma_wait3A_608 = arith.constant 208 : i32
      %dma_wait3A_609 = arith.constant 0 : i32
      %dma_wait3A_610 = tpu.memref_slice %arg9[%dma_wait3A_608, %dma_wait3A_609] : memref<800x64xf32, #tpu.memory_space<vmem>> -> memref<192x64xf32, #tpu.memory_space<vmem>>
      %dma_wait3A_611 = arith.constant 0 : i32
      %dma_wait3A_612 = arith.constant 0 : i32
      %dma_wait3A_613 = tpu.memref_slice %arg3[%dma_wait3A_611, %dma_wait3A_612] : memref<1000000x64xf32, #tpu.memory_space<hbm>> -> memref<192x64xf32, #tpu.memory_space<hbm>>
      %dma_wait3A_614 = arith.constant 208 : i32
      %dma_wait3A_615 = arith.constant 0 : i32
      %dma_wait3A_616 = tpu.memref_slice %arg9[%dma_wait3A_614, %dma_wait3A_615] : memref<800x64xf32, #tpu.memory_space<vmem>> -> memref<192x64xf32, #tpu.memory_space<vmem>>
      %dma_wait3A_617 = arith.constant 0 : i32
      %dma_wait3A_618 = arith.constant 0 : i32
      %dma_wait3A_619 = tpu.memref_slice %arg3[%dma_wait3A_617, %dma_wait3A_618] : memref<1000000x64xf32, #tpu.memory_space<hbm>> -> memref<192x64xf32, #tpu.memory_space<hbm>>
      tpu.wait_dma2 semaphore(%arg14 : memref<!tpu.dma_semaphore, #tpu.memory_space<semaphore_mem>>) src(%dma_wait3A_619 : memref<192x64xf32, #tpu.memory_space<hbm>>) dst(%dma_wait3A_616 : memref<192x64xf32, #tpu.memory_space<vmem>>)
      %dma_wait3A_620 = arith.constant 408 : i32
      %dma_wait3A_621 = arith.constant 0 : i32
      %dma_wait3A_622 = tpu.memref_slice %arg9[%dma_wait3A_620, %dma_wait3A_621] : memref<800x64xf32, #tpu.memory_space<vmem>> -> memref<192x64xf32, #tpu.memory_space<vmem>>
      %dma_wait3A_623 = arith.constant 0 : i32
      %dma_wait3A_624 = arith.constant 0 : i32
      %dma_wait3A_625 = tpu.memref_slice %arg3[%dma_wait3A_623, %dma_wait3A_624] : memref<1000000x64xf32, #tpu.memory_space<hbm>> -> memref<192x64xf32, #tpu.memory_space<hbm>>
      %dma_wait3A_626 = arith.constant 408 : i32
      %dma_wait3A_627 = arith.constant 0 : i32
      %dma_wait3A_628 = tpu.memref_slice %arg9[%dma_wait3A_626, %dma_wait3A_627] : memref<800x64xf32, #tpu.memory_space<vmem>> -> memref<192x64xf32, #tpu.memory_space<vmem>>
      %dma_wait3A_629 = arith.constant 0 : i32
      %dma_wait3A_630 = arith.constant 0 : i32
      %dma_wait3A_631 = tpu.memref_slice %arg3[%dma_wait3A_629, %dma_wait3A_630] : memref<1000000x64xf32, #tpu.memory_space<hbm>> -> memref<192x64xf32, #tpu.memory_space<hbm>>
      tpu.wait_dma2 semaphore(%arg14 : memref<!tpu.dma_semaphore, #tpu.memory_space<semaphore_mem>>) src(%dma_wait3A_631 : memref<192x64xf32, #tpu.memory_space<hbm>>) dst(%dma_wait3A_628 : memref<192x64xf32, #tpu.memory_space<vmem>>)
      %dma_wait3A_632 = arith.constant 608 : i32
      %dma_wait3A_633 = arith.constant 0 : i32
      %dma_wait3A_634 = tpu.memref_slice %arg9[%dma_wait3A_632, %dma_wait3A_633] : memref<800x64xf32, #tpu.memory_space<vmem>> -> memref<192x64xf32, #tpu.memory_space<vmem>>
      %dma_wait3A_635 = arith.constant 0 : i32
      %dma_wait3A_636 = arith.constant 0 : i32
      %dma_wait3A_637 = tpu.memref_slice %arg3[%dma_wait3A_635, %dma_wait3A_636] : memref<1000000x64xf32, #tpu.memory_space<hbm>> -> memref<192x64xf32, #tpu.memory_space<hbm>>
      %dma_wait3A_638 = arith.constant 608 : i32
      %dma_wait3A_639 = arith.constant 0 : i32
      %dma_wait3A_640 = tpu.memref_slice %arg9[%dma_wait3A_638, %dma_wait3A_639] : memref<800x64xf32, #tpu.memory_space<vmem>> -> memref<192x64xf32, #tpu.memory_space<vmem>>
      %dma_wait3A_641 = arith.constant 0 : i32
      %dma_wait3A_642 = arith.constant 0 : i32
      %dma_wait3A_643 = tpu.memref_slice %arg3[%dma_wait3A_641, %dma_wait3A_642] : memref<1000000x64xf32, #tpu.memory_space<hbm>> -> memref<192x64xf32, #tpu.memory_space<hbm>>
      tpu.wait_dma2 semaphore(%arg14 : memref<!tpu.dma_semaphore, #tpu.memory_space<semaphore_mem>>) src(%dma_wait3A_643 : memref<192x64xf32, #tpu.memory_space<hbm>>) dst(%dma_wait3A_640 : memref<192x64xf32, #tpu.memory_space<vmem>>)
      %add3A_644 = arith.constant 2 : i32
      %add3A_645 = arith.addi %add3A_519, %add3A_644 : i32
      %lt3A_646 = arith.constant 32 : i32
      %lt3A_647 = arith.cmpi slt, %add3A_645, %lt3A_646 : i32
      %convert_element_type3A_648 = arith.extui %lt3A_647 : i1 to i32
      %cond3A_649 = arith.constant 0 : i32
      %cond3A_650 = arith.cmpi ne, %convert_element_type3A_648, %cond3A_649 : i32
      scf.if %cond3A_650 {
        %add3A_1009 = arith.constant 2 : i32
        %add3A_1010 = arith.addi %add3A_519, %add3A_1009 : i32
        %mul3A_1011 = arith.constant 4 : i32
        %mul3A_1012 = arith.muli %add3A_1010, %mul3A_1011 : i32
        %add3A_1013 = arith.addi %mul3A_2, %mul3A_1012 : i32
        %mul3A_1014 = arith.constant 200 : i32
        %mul3A_1015 = arith.muli %add3A_1013, %mul3A_1014 : i32
        %dma_start3A_1016 = tpu.memref_slice %arg2[%mul3A_1015] : memref<819200xi32, #tpu.memory_space<hbm>> -> memref<800xi32, #tpu.memory_space<hbm>>
        %dma_start3A_1017 = tpu.memref_slice %arg2[%mul3A_1015] : memref<819200xi32, #tpu.memory_space<hbm>> -> memref<800xi32, #tpu.memory_space<hbm>>
        tpu.enqueue_dma source(%dma_start3A_1017 : memref<800xi32, #tpu.memory_space<hbm>>) target(%arg7 : memref<800xi32, #tpu.memory_space<vmem>>) target_semaphore(%arg12 : memref<!tpu.dma_semaphore, #tpu.memory_space<semaphore_mem>>)
      } else {
      }
      %get3A_651 = arith.constant 8 : i32
      %get3A_652 = arith.index_cast %get3A_651 : i32 to index
      %get3A_653 = arith.constant 0 : index
      %get3A_654 = tpu.vector_load %arg10[%get3A_652, %get3A_653] {strides = array<i32>} : memref<16x64xf32, #tpu.memory_space<vmem>>, vector<1x16xf32>,
      %get3A_655 = vector.shape_cast %get3A_654 : vector<1x16xf32> to vector<16xf32>
      %swap3A_656 = arith.constant 8 : i32
      %swap3A_657 = arith.index_cast %swap3A_656 : i32 to index
      %swap3A_658 = arith.constant 0 : index
      %swap3A_659 = tpu.vector_load %arg9[%swap3A_657, %swap3A_658] {strides = array<i32>} : memref<800x64xf32, #tpu.memory_space<vmem>>, vector<1x16xf32>,
      %swap3A_660 = vector.shape_cast %swap3A_659 : vector<1x16xf32> to vector<16xf32>
      %swap3A_661 = vector.shape_cast %get3A_655 : vector<16xf32> to vector<1x16xf32>
      tpu.vector_store %arg9[%swap3A_657, %swap3A_658], %swap3A_661 {strides = array<i32>} : memref<800x64xf32, #tpu.memory_space<vmem>>, vector<1x16xf32>,
      %get3A_662 = arith.constant 8 : i32
      %get3A_663 = arith.index_cast %get3A_662 : i32 to index
      %get3A_664 = arith.constant 16 : index
      %get3A_665 = tpu.vector_load %arg10[%get3A_663, %get3A_664] {strides = array<i32>} : memref<16x64xf32, #tpu.memory_space<vmem>>, vector<1x16xf32>,
      %get3A_666 = vector.shape_cast %get3A_665 : vector<1x16xf32> to vector<16xf32>
      %swap3A_667 = arith.constant 8 : i32
      %swap3A_668 = arith.index_cast %swap3A_667 : i32 to index
      %swap3A_669 = arith.constant 16 : index
      %swap3A_670 = tpu.vector_load %arg9[%swap3A_668, %swap3A_669] {strides = array<i32>} : memref<800x64xf32, #tpu.memory_space<vmem>>, vector<1x16xf32>,
      %swap3A_671 = vector.shape_cast %swap3A_670 : vector<1x16xf32> to vector<16xf32>
      %swap3A_672 = vector.shape_cast %get3A_666 : vector<16xf32> to vector<1x16xf32>
      tpu.vector_store %arg9[%swap3A_668, %swap3A_669], %swap3A_672 {strides = array<i32>} : memref<800x64xf32, #tpu.memory_space<vmem>>, vector<1x16xf32>,
      %get3A_673 = arith.constant 8 : i32
      %get3A_674 = arith.index_cast %get3A_673 : i32 to index
      %get3A_675 = arith.constant 32 : index
      %get3A_676 = tpu.vector_load %arg10[%get3A_674, %get3A_675] {strides = array<i32>} : memref<16x64xf32, #tpu.memory_space<vmem>>, vector<1x16xf32>,
      %get3A_677 = vector.shape_cast %get3A_676 : vector<1x16xf32> to vector<16xf32>
      %swap3A_678 = arith.constant 8 : i32
      %swap3A_679 = arith.index_cast %swap3A_678 : i32 to index
      %swap3A_680 = arith.constant 32 : index
      %swap3A_681 = tpu.vector_load %arg9[%swap3A_679, %swap3A_680] {strides = array<i32>} : memref<800x64xf32, #tpu.memory_space<vmem>>, vector<1x16xf32>,
      %swap3A_682 = vector.shape_cast %swap3A_681 : vector<1x16xf32> to vector<16xf32>
      %swap3A_683 = vector.shape_cast %get3A_677 : vector<16xf32> to vector<1x16xf32>
      tpu.vector_store %arg9[%swap3A_679, %swap3A_680], %swap3A_683 {strides = array<i32>} : memref<800x64xf32, #tpu.memory_space<vmem>>, vector<1x16xf32>,
      %get3A_684 = arith.constant 8 : i32
      %get3A_685 = arith.index_cast %get3A_684 : i32 to index
      %get3A_686 = arith.constant 48 : index
      %get3A_687 = tpu.vector_load %arg10[%get3A_685, %get3A_686] {strides = array<i32>} : memref<16x64xf32, #tpu.memory_space<vmem>>, vector<1x16xf32>,
      %get3A_688 = vector.shape_cast %get3A_687 : vector<1x16xf32> to vector<16xf32>
      %swap3A_689 = arith.constant 8 : i32
      %swap3A_690 = arith.index_cast %swap3A_689 : i32 to index
      %swap3A_691 = arith.constant 48 : index
      %swap3A_692 = tpu.vector_load %arg9[%swap3A_690, %swap3A_691] {strides = array<i32>} : memref<800x64xf32, #tpu.memory_space<vmem>>, vector<1x16xf32>,
      %swap3A_693 = vector.shape_cast %swap3A_692 : vector<1x16xf32> to vector<16xf32>
      %swap3A_694 = vector.shape_cast %get3A_688 : vector<16xf32> to vector<1x16xf32>
      tpu.vector_store %arg9[%swap3A_690, %swap3A_691], %swap3A_694 {strides = array<i32>} : memref<800x64xf32, #tpu.memory_space<vmem>>, vector<1x16xf32>,
      %get3A_695 = arith.constant 9 : i32
      %get3A_696 = arith.index_cast %get3A_695 : i32 to index
      %get3A_697 = arith.constant 0 : index
      %get3A_698 = tpu.vector_load %arg10[%get3A_696, %get3A_697] {strides = array<i32>} : memref<16x64xf32, #tpu.memory_space<vmem>>, vector<1x16xf32>,
      %get3A_699 = vector.shape_cast %get3A_698 : vector<1x16xf32> to vector<16xf32>
      %swap3A_700 = arith.constant 9 : i32
      %swap3A_701 = arith.index_cast %swap3A_700 : i32 to index
      %swap3A_702 = arith.constant 0 : index
      %swap3A_703 = tpu.vector_load %arg9[%swap3A_701, %swap3A_702] {strides = array<i32>} : memref<800x64xf32, #tpu.memory_space<vmem>>, vector<1x16xf32>,
      %swap3A_704 = vector.shape_cast %swap3A_703 : vector<1x16xf32> to vector<16xf32>
      %swap3A_705 = vector.shape_cast %get3A_699 : vector<16xf32> to vector<1x16xf32>
      tpu.vector_store %arg9[%swap3A_701, %swap3A_702], %swap3A_705 {strides = array<i32>} : memref<800x64xf32, #tpu.memory_space<vmem>>, vector<1x16xf32>,
      %get3A_706 = arith.constant 9 : i32
      %get3A_707 = arith.index_cast %get3A_706 : i32 to index
      %get3A_708 = arith.constant 16 : index
      %get3A_709 = tpu.vector_load %arg10[%get3A_707, %get3A_708] {strides = array<i32>} : memref<16x64xf32, #tpu.memory_space<vmem>>, vector<1x16xf32>,
      %get3A_710 = vector.shape_cast %get3A_709 : vector<1x16xf32> to vector<16xf32>
      %swap3A_711 = arith.constant 9 : i32
      %swap3A_712 = arith.index_cast %swap3A_711 : i32 to index
      %swap3A_713 = arith.constant 16 : index
      %swap3A_714 = tpu.vector_load %arg9[%swap3A_712, %swap3A_713] {strides = array<i32>} : memref<800x64xf32, #tpu.memory_space<vmem>>, vector<1x16xf32>,
      %swap3A_715 = vector.shape_cast %swap3A_714 : vector<1x16xf32> to vector<16xf32>
      %swap3A_716 = vector.shape_cast %get3A_710 : vector<16xf32> to vector<1x16xf32>
      tpu.vector_store %arg9[%swap3A_712, %swap3A_713], %swap3A_716 {strides = array<i32>} : memref<800x64xf32, #tpu.memory_space<vmem>>, vector<1x16xf32>,
      %get3A_717 = arith.constant 9 : i32
      %get3A_718 = arith.index_cast %get3A_717 : i32 to index
      %get3A_719 = arith.constant 32 : index
      %get3A_720 = tpu.vector_load %arg10[%get3A_718, %get3A_719] {strides = array<i32>} : memref<16x64xf32, #tpu.memory_space<vmem>>, vector<1x16xf32>,
      %get3A_721 = vector.shape_cast %get3A_720 : vector<1x16xf32> to vector<16xf32>
      %swap3A_722 = arith.constant 9 : i32
      %swap3A_723 = arith.index_cast %swap3A_722 : i32 to index
      %swap3A_724 = arith.constant 32 : index
      %swap3A_725 = tpu.vector_load %arg9[%swap3A_723, %swap3A_724] {strides = array<i32>} : memref<800x64xf32, #tpu.memory_space<vmem>>, vector<1x16xf32>,
      %swap3A_726 = vector.shape_cast %swap3A_725 : vector<1x16xf32> to vector<16xf32>
      %swap3A_727 = vector.shape_cast %get3A_721 : vector<16xf32> to vector<1x16xf32>
      tpu.vector_store %arg9[%swap3A_723, %swap3A_724], %swap3A_727 {strides = array<i32>} : memref<800x64xf32, #tpu.memory_space<vmem>>, vector<1x16xf32>,
      %get3A_728 = arith.constant 9 : i32
      %get3A_729 = arith.index_cast %get3A_728 : i32 to index
      %get3A_730 = arith.constant 48 : index
      %get3A_731 = tpu.vector_load %arg10[%get3A_729, %get3A_730] {strides = array<i32>} : memref<16x64xf32, #tpu.memory_space<vmem>>, vector<1x16xf32>,
      %get3A_732 = vector.shape_cast %get3A_731 : vector<1x16xf32> to vector<16xf32>
      %swap3A_733 = arith.constant 9 : i32
      %swap3A_734 = arith.index_cast %swap3A_733 : i32 to index
      %swap3A_735 = arith.constant 48 : index
      %swap3A_736 = tpu.vector_load %arg9[%swap3A_734, %swap3A_735] {strides = array<i32>} : memref<800x64xf32, #tpu.memory_space<vmem>>, vector<1x16xf32>,
      %swap3A_737 = vector.shape_cast %swap3A_736 : vector<1x16xf32> to vector<16xf32>
      %swap3A_738 = vector.shape_cast %get3A_732 : vector<16xf32> to vector<1x16xf32>
      tpu.vector_store %arg9[%swap3A_734, %swap3A_735], %swap3A_738 {strides = array<i32>} : memref<800x64xf32, #tpu.memory_space<vmem>>, vector<1x16xf32>,
      %get3A_739 = arith.constant 8 : i32
      %get3A_740 = arith.index_cast %get3A_739 : i32 to index
      %get3A_741 = arith.constant 0 : index
      %get3A_742 = tpu.vector_load %arg10[%get3A_740, %get3A_741] {strides = array<i32>} : memref<16x64xf32, #tpu.memory_space<vmem>>, vector<1x16xf32>,
      %get3A_743 = vector.shape_cast %get3A_742 : vector<1x16xf32> to vector<16xf32>
      %swap3A_744 = arith.constant 208 : i32
      %swap3A_745 = arith.index_cast %swap3A_744 : i32 to index
      %swap3A_746 = arith.constant 0 : index
      %swap3A_747 = tpu.vector_load %arg9[%swap3A_745, %swap3A_746] {strides = array<i32>} : memref<800x64xf32, #tpu.memory_space<vmem>>, vector<1x16xf32>,
      %swap3A_748 = vector.shape_cast %swap3A_747 : vector<1x16xf32> to vector<16xf32>
      %swap3A_749 = vector.shape_cast %get3A_743 : vector<16xf32> to vector<1x16xf32>
      tpu.vector_store %arg9[%swap3A_745, %swap3A_746], %swap3A_749 {strides = array<i32>} : memref<800x64xf32, #tpu.memory_space<vmem>>, vector<1x16xf32>,
      %get3A_750 = arith.constant 8 : i32
      %get3A_751 = arith.index_cast %get3A_750 : i32 to index
      %get3A_752 = arith.constant 16 : index
      %get3A_753 = tpu.vector_load %arg10[%get3A_751, %get3A_752] {strides = array<i32>} : memref<16x64xf32, #tpu.memory_space<vmem>>, vector<1x16xf32>,
      %get3A_754 = vector.shape_cast %get3A_753 : vector<1x16xf32> to vector<16xf32>
      %swap3A_755 = arith.constant 208 : i32
      %swap3A_756 = arith.index_cast %swap3A_755 : i32 to index
      %swap3A_757 = arith.constant 16 : index
      %swap3A_758 = tpu.vector_load %arg9[%swap3A_756, %swap3A_757] {strides = array<i32>} : memref<800x64xf32, #tpu.memory_space<vmem>>, vector<1x16xf32>,
      %swap3A_759 = vector.shape_cast %swap3A_758 : vector<1x16xf32> to vector<16xf32>
      %swap3A_760 = vector.shape_cast %get3A_754 : vector<16xf32> to vector<1x16xf32>
      tpu.vector_store %arg9[%swap3A_756, %swap3A_757], %swap3A_760 {strides = array<i32>} : memref<800x64xf32, #tpu.memory_space<vmem>>, vector<1x16xf32>,
      %get3A_761 = arith.constant 8 : i32
      %get3A_762 = arith.index_cast %get3A_761 : i32 to index
      %get3A_763 = arith.constant 32 : index
      %get3A_764 = tpu.vector_load %arg10[%get3A_762, %get3A_763] {strides = array<i32>} : memref<16x64xf32, #tpu.memory_space<vmem>>, vector<1x16xf32>,
      %get3A_765 = vector.shape_cast %get3A_764 : vector<1x16xf32> to vector<16xf32>
      %swap3A_766 = arith.constant 208 : i32
      %swap3A_767 = arith.index_cast %swap3A_766 : i32 to index
      %swap3A_768 = arith.constant 32 : index
      %swap3A_769 = tpu.vector_load %arg9[%swap3A_767, %swap3A_768] {strides = array<i32>} : memref<800x64xf32, #tpu.memory_space<vmem>>, vector<1x16xf32>,
      %swap3A_770 = vector.shape_cast %swap3A_769 : vector<1x16xf32> to vector<16xf32>
      %swap3A_771 = vector.shape_cast %get3A_765 : vector<16xf32> to vector<1x16xf32>
      tpu.vector_store %arg9[%swap3A_767, %swap3A_768], %swap3A_771 {strides = array<i32>} : memref<800x64xf32, #tpu.memory_space<vmem>>, vector<1x16xf32>,
      %get3A_772 = arith.constant 8 : i32
      %get3A_773 = arith.index_cast %get3A_772 : i32 to index
      %get3A_774 = arith.constant 48 : index
      %get3A_775 = tpu.vector_load %arg10[%get3A_773, %get3A_774] {strides = array<i32>} : memref<16x64xf32, #tpu.memory_space<vmem>>, vector<1x16xf32>,
      %get3A_776 = vector.shape_cast %get3A_775 : vector<1x16xf32> to vector<16xf32>
      %swap3A_777 = arith.constant 208 : i32
      %swap3A_778 = arith.index_cast %swap3A_777 : i32 to index
      %swap3A_779 = arith.constant 48 : index
      %swap3A_780 = tpu.vector_load %arg9[%swap3A_778, %swap3A_779] {strides = array<i32>} : memref<800x64xf32, #tpu.memory_space<vmem>>, vector<1x16xf32>,
      %swap3A_781 = vector.shape_cast %swap3A_780 : vector<1x16xf32> to vector<16xf32>
      %swap3A_782 = vector.shape_cast %get3A_776 : vector<16xf32> to vector<1x16xf32>
      tpu.vector_store %arg9[%swap3A_778, %swap3A_779], %swap3A_782 {strides = array<i32>} : memref<800x64xf32, #tpu.memory_space<vmem>>, vector<1x16xf32>,
      %get3A_783 = arith.constant 9 : i32
      %get3A_784 = arith.index_cast %get3A_783 : i32 to index
      %get3A_785 = arith.constant 0 : index
      %get3A_786 = tpu.vector_load %arg10[%get3A_784, %get3A_785] {strides = array<i32>} : memref<16x64xf32, #tpu.memory_space<vmem>>, vector<1x16xf32>,
      %get3A_787 = vector.shape_cast %get3A_786 : vector<1x16xf32> to vector<16xf32>
      %swap3A_788 = arith.constant 209 : i32
      %swap3A_789 = arith.index_cast %swap3A_788 : i32 to index
      %swap3A_790 = arith.constant 0 : index
      %swap3A_791 = tpu.vector_load %arg9[%swap3A_789, %swap3A_790] {strides = array<i32>} : memref<800x64xf32, #tpu.memory_space<vmem>>, vector<1x16xf32>,
      %swap3A_792 = vector.shape_cast %swap3A_791 : vector<1x16xf32> to vector<16xf32>
      %swap3A_793 = vector.shape_cast %get3A_787 : vector<16xf32> to vector<1x16xf32>
      tpu.vector_store %arg9[%swap3A_789, %swap3A_790], %swap3A_793 {strides = array<i32>} : memref<800x64xf32, #tpu.memory_space<vmem>>, vector<1x16xf32>,
      %get3A_794 = arith.constant 9 : i32
      %get3A_795 = arith.index_cast %get3A_794 : i32 to index
      %get3A_796 = arith.constant 16 : index
      %get3A_797 = tpu.vector_load %arg10[%get3A_795, %get3A_796] {strides = array<i32>} : memref<16x64xf32, #tpu.memory_space<vmem>>, vector<1x16xf32>,
      %get3A_798 = vector.shape_cast %get3A_797 : vector<1x16xf32> to vector<16xf32>
      %swap3A_799 = arith.constant 209 : i32
      %swap3A_800 = arith.index_cast %swap3A_799 : i32 to index
      %swap3A_801 = arith.constant 16 : index
      %swap3A_802 = tpu.vector_load %arg9[%swap3A_800, %swap3A_801] {strides = array<i32>} : memref<800x64xf32, #tpu.memory_space<vmem>>, vector<1x16xf32>,
      %swap3A_803 = vector.shape_cast %swap3A_802 : vector<1x16xf32> to vector<16xf32>
      %swap3A_804 = vector.shape_cast %get3A_798 : vector<16xf32> to vector<1x16xf32>
      tpu.vector_store %arg9[%swap3A_800, %swap3A_801], %swap3A_804 {strides = array<i32>} : memref<800x64xf32, #tpu.memory_space<vmem>>, vector<1x16xf32>,
      %get3A_805 = arith.constant 9 : i32
      %get3A_806 = arith.index_cast %get3A_805 : i32 to index
      %get3A_807 = arith.constant 32 : index
      %get3A_808 = tpu.vector_load %arg10[%get3A_806, %get3A_807] {strides = array<i32>} : memref<16x64xf32, #tpu.memory_space<vmem>>, vector<1x16xf32>,
      %get3A_809 = vector.shape_cast %get3A_808 : vector<1x16xf32> to vector<16xf32>
      %swap3A_810 = arith.constant 209 : i32
      %swap3A_811 = arith.index_cast %swap3A_810 : i32 to index
      %swap3A_812 = arith.constant 32 : index
      %swap3A_813 = tpu.vector_load %arg9[%swap3A_811, %swap3A_812] {strides = array<i32>} : memref<800x64xf32, #tpu.memory_space<vmem>>, vector<1x16xf32>,
      %swap3A_814 = vector.shape_cast %swap3A_813 : vector<1x16xf32> to vector<16xf32>
      %swap3A_815 = vector.shape_cast %get3A_809 : vector<16xf32> to vector<1x16xf32>
      tpu.vector_store %arg9[%swap3A_811, %swap3A_812], %swap3A_815 {strides = array<i32>} : memref<800x64xf32, #tpu.memory_space<vmem>>, vector<1x16xf32>,
      %get3A_816 = arith.constant 9 : i32
      %get3A_817 = arith.index_cast %get3A_816 : i32 to index
      %get3A_818 = arith.constant 48 : index
      %get3A_819 = tpu.vector_load %arg10[%get3A_817, %get3A_818] {strides = array<i32>} : memref<16x64xf32, #tpu.memory_space<vmem>>, vector<1x16xf32>,
      %get3A_820 = vector.shape_cast %get3A_819 : vector<1x16xf32> to vector<16xf32>
      %swap3A_821 = arith.constant 209 : i32
      %swap3A_822 = arith.index_cast %swap3A_821 : i32 to index
      %swap3A_823 = arith.constant 48 : index
      %swap3A_824 = tpu.vector_load %arg9[%swap3A_822, %swap3A_823] {strides = array<i32>} : memref<800x64xf32, #tpu.memory_space<vmem>>, vector<1x16xf32>,
      %swap3A_825 = vector.shape_cast %swap3A_824 : vector<1x16xf32> to vector<16xf32>
      %swap3A_826 = vector.shape_cast %get3A_820 : vector<16xf32> to vector<1x16xf32>
      tpu.vector_store %arg9[%swap3A_822, %swap3A_823], %swap3A_826 {strides = array<i32>} : memref<800x64xf32, #tpu.memory_space<vmem>>, vector<1x16xf32>,
      %get3A_827 = arith.constant 8 : i32
      %get3A_828 = arith.index_cast %get3A_827 : i32 to index
      %get3A_829 = arith.constant 0 : index
      %get3A_830 = tpu.vector_load %arg10[%get3A_828, %get3A_829] {strides = array<i32>} : memref<16x64xf32, #tpu.memory_space<vmem>>, vector<1x16xf32>,
      %get3A_831 = vector.shape_cast %get3A_830 : vector<1x16xf32> to vector<16xf32>
      %swap3A_832 = arith.constant 408 : i32
      %swap3A_833 = arith.index_cast %swap3A_832 : i32 to index
      %swap3A_834 = arith.constant 0 : index
      %swap3A_835 = tpu.vector_load %arg9[%swap3A_833, %swap3A_834] {strides = array<i32>} : memref<800x64xf32, #tpu.memory_space<vmem>>, vector<1x16xf32>,
      %swap3A_836 = vector.shape_cast %swap3A_835 : vector<1x16xf32> to vector<16xf32>
      %swap3A_837 = vector.shape_cast %get3A_831 : vector<16xf32> to vector<1x16xf32>
      tpu.vector_store %arg9[%swap3A_833, %swap3A_834], %swap3A_837 {strides = array<i32>} : memref<800x64xf32, #tpu.memory_space<vmem>>, vector<1x16xf32>,
      %get3A_838 = arith.constant 8 : i32
      %get3A_839 = arith.index_cast %get3A_838 : i32 to index
      %get3A_840 = arith.constant 16 : index
      %get3A_841 = tpu.vector_load %arg10[%get3A_839, %get3A_840] {strides = array<i32>} : memref<16x64xf32, #tpu.memory_space<vmem>>, vector<1x16xf32>,
      %get3A_842 = vector.shape_cast %get3A_841 : vector<1x16xf32> to vector<16xf32>
      %swap3A_843 = arith.constant 408 : i32
      %swap3A_844 = arith.index_cast %swap3A_843 : i32 to index
      %swap3A_845 = arith.constant 16 : index
      %swap3A_846 = tpu.vector_load %arg9[%swap3A_844, %swap3A_845] {strides = array<i32>} : memref<800x64xf32, #tpu.memory_space<vmem>>, vector<1x16xf32>,
      %swap3A_847 = vector.shape_cast %swap3A_846 : vector<1x16xf32> to vector<16xf32>
      %swap3A_848 = vector.shape_cast %get3A_842 : vector<16xf32> to vector<1x16xf32>
      tpu.vector_store %arg9[%swap3A_844, %swap3A_845], %swap3A_848 {strides = array<i32>} : memref<800x64xf32, #tpu.memory_space<vmem>>, vector<1x16xf32>,
      %get3A_849 = arith.constant 8 : i32
      %get3A_850 = arith.index_cast %get3A_849 : i32 to index
      %get3A_851 = arith.constant 32 : index
      %get3A_852 = tpu.vector_load %arg10[%get3A_850, %get3A_851] {strides = array<i32>} : memref<16x64xf32, #tpu.memory_space<vmem>>, vector<1x16xf32>,
      %get3A_853 = vector.shape_cast %get3A_852 : vector<1x16xf32> to vector<16xf32>
      %swap3A_854 = arith.constant 408 : i32
      %swap3A_855 = arith.index_cast %swap3A_854 : i32 to index
      %swap3A_856 = arith.constant 32 : index
      %swap3A_857 = tpu.vector_load %arg9[%swap3A_855, %swap3A_856] {strides = array<i32>} : memref<800x64xf32, #tpu.memory_space<vmem>>, vector<1x16xf32>,
      %swap3A_858 = vector.shape_cast %swap3A_857 : vector<1x16xf32> to vector<16xf32>
      %swap3A_859 = vector.shape_cast %get3A_853 : vector<16xf32> to vector<1x16xf32>
      tpu.vector_store %arg9[%swap3A_855, %swap3A_856], %swap3A_859 {strides = array<i32>} : memref<800x64xf32, #tpu.memory_space<vmem>>, vector<1x16xf32>,
      %get3A_860 = arith.constant 8 : i32
      %get3A_861 = arith.index_cast %get3A_860 : i32 to index
      %get3A_862 = arith.constant 48 : index
      %get3A_863 = tpu.vector_load %arg10[%get3A_861, %get3A_862] {strides = array<i32>} : memref<16x64xf32, #tpu.memory_space<vmem>>, vector<1x16xf32>,
      %get3A_864 = vector.shape_cast %get3A_863 : vector<1x16xf32> to vector<16xf32>
      %swap3A_865 = arith.constant 408 : i32
      %swap3A_866 = arith.index_cast %swap3A_865 : i32 to index
      %swap3A_867 = arith.constant 48 : index
      %swap3A_868 = tpu.vector_load %arg9[%swap3A_866, %swap3A_867] {strides = array<i32>} : memref<800x64xf32, #tpu.memory_space<vmem>>, vector<1x16xf32>,
      %swap3A_869 = vector.shape_cast %swap3A_868 : vector<1x16xf32> to vector<16xf32>
      %swap3A_870 = vector.shape_cast %get3A_864 : vector<16xf32> to vector<1x16xf32>
      tpu.vector_store %arg9[%swap3A_866, %swap3A_867], %swap3A_870 {strides = array<i32>} : memref<800x64xf32, #tpu.memory_space<vmem>>, vector<1x16xf32>,
      %get3A_871 = arith.constant 9 : i32
      %get3A_872 = arith.index_cast %get3A_871 : i32 to index
      %get3A_873 = arith.constant 0 : index
      %get3A_874 = tpu.vector_load %arg10[%get3A_872, %get3A_873] {strides = array<i32>} : memref<16x64xf32, #tpu.memory_space<vmem>>, vector<1x16xf32>,
      %get3A_875 = vector.shape_cast %get3A_874 : vector<1x16xf32> to vector<16xf32>
      %swap3A_876 = arith.constant 409 : i32
      %swap3A_877 = arith.index_cast %swap3A_876 : i32 to index
      %swap3A_878 = arith.constant 0 : index
      %swap3A_879 = tpu.vector_load %arg9[%swap3A_877, %swap3A_878] {strides = array<i32>} : memref<800x64xf32, #tpu.memory_space<vmem>>, vector<1x16xf32>,
      %swap3A_880 = vector.shape_cast %swap3A_879 : vector<1x16xf32> to vector<16xf32>
      %swap3A_881 = vector.shape_cast %get3A_875 : vector<16xf32> to vector<1x16xf32>
      tpu.vector_store %arg9[%swap3A_877, %swap3A_878], %swap3A_881 {strides = array<i32>} : memref<800x64xf32, #tpu.memory_space<vmem>>, vector<1x16xf32>,
      %get3A_882 = arith.constant 9 : i32
      %get3A_883 = arith.index_cast %get3A_882 : i32 to index
      %get3A_884 = arith.constant 16 : index
      %get3A_885 = tpu.vector_load %arg10[%get3A_883, %get3A_884] {strides = array<i32>} : memref<16x64xf32, #tpu.memory_space<vmem>>, vector<1x16xf32>,
      %get3A_886 = vector.shape_cast %get3A_885 : vector<1x16xf32> to vector<16xf32>
      %swap3A_887 = arith.constant 409 : i32
      %swap3A_888 = arith.index_cast %swap3A_887 : i32 to index
      %swap3A_889 = arith.constant 16 : index
      %swap3A_890 = tpu.vector_load %arg9[%swap3A_888, %swap3A_889] {strides = array<i32>} : memref<800x64xf32, #tpu.memory_space<vmem>>, vector<1x16xf32>,
      %swap3A_891 = vector.shape_cast %swap3A_890 : vector<1x16xf32> to vector<16xf32>
      %swap3A_892 = vector.shape_cast %get3A_886 : vector<16xf32> to vector<1x16xf32>
      tpu.vector_store %arg9[%swap3A_888, %swap3A_889], %swap3A_892 {strides = array<i32>} : memref<800x64xf32, #tpu.memory_space<vmem>>, vector<1x16xf32>,
      %get3A_893 = arith.constant 9 : i32
      %get3A_894 = arith.index_cast %get3A_893 : i32 to index
      %get3A_895 = arith.constant 32 : index
      %get3A_896 = tpu.vector_load %arg10[%get3A_894, %get3A_895] {strides = array<i32>} : memref<16x64xf32, #tpu.memory_space<vmem>>, vector<1x16xf32>,
      %get3A_897 = vector.shape_cast %get3A_896 : vector<1x16xf32> to vector<16xf32>
      %swap3A_898 = arith.constant 409 : i32
      %swap3A_899 = arith.index_cast %swap3A_898 : i32 to index
      %swap3A_900 = arith.constant 32 : index
      %swap3A_901 = tpu.vector_load %arg9[%swap3A_899, %swap3A_900] {strides = array<i32>} : memref<800x64xf32, #tpu.memory_space<vmem>>, vector<1x16xf32>,
      %swap3A_902 = vector.shape_cast %swap3A_901 : vector<1x16xf32> to vector<16xf32>
      %swap3A_903 = vector.shape_cast %get3A_897 : vector<16xf32> to vector<1x16xf32>
      tpu.vector_store %arg9[%swap3A_899, %swap3A_900], %swap3A_903 {strides = array<i32>} : memref<800x64xf32, #tpu.memory_space<vmem>>, vector<1x16xf32>,
      %get3A_904 = arith.constant 9 : i32
      %get3A_905 = arith.index_cast %get3A_904 : i32 to index
      %get3A_906 = arith.constant 48 : index
      %get3A_907 = tpu.vector_load %arg10[%get3A_905, %get3A_906] {strides = array<i32>} : memref<16x64xf32, #tpu.memory_space<vmem>>, vector<1x16xf32>,
      %get3A_908 = vector.shape_cast %get3A_907 : vector<1x16xf32> to vector<16xf32>
      %swap3A_909 = arith.constant 409 : i32
      %swap3A_910 = arith.index_cast %swap3A_909 : i32 to index
      %swap3A_911 = arith.constant 48 : index
      %swap3A_912 = tpu.vector_load %arg9[%swap3A_910, %swap3A_911] {strides = array<i32>} : memref<800x64xf32, #tpu.memory_space<vmem>>, vector<1x16xf32>,
      %swap3A_913 = vector.shape_cast %swap3A_912 : vector<1x16xf32> to vector<16xf32>
      %swap3A_914 = vector.shape_cast %get3A_908 : vector<16xf32> to vector<1x16xf32>
      tpu.vector_store %arg9[%swap3A_910, %swap3A_911], %swap3A_914 {strides = array<i32>} : memref<800x64xf32, #tpu.memory_space<vmem>>, vector<1x16xf32>,
      %get3A_915 = arith.constant 8 : i32
      %get3A_916 = arith.index_cast %get3A_915 : i32 to index
      %get3A_917 = arith.constant 0 : index
      %get3A_918 = tpu.vector_load %arg10[%get3A_916, %get3A_917] {strides = array<i32>} : memref<16x64xf32, #tpu.memory_space<vmem>>, vector<1x16xf32>,
      %get3A_919 = vector.shape_cast %get3A_918 : vector<1x16xf32> to vector<16xf32>
      %swap3A_920 = arith.constant 608 : i32
      %swap3A_921 = arith.index_cast %swap3A_920 : i32 to index
      %swap3A_922 = arith.constant 0 : index
      %swap3A_923 = tpu.vector_load %arg9[%swap3A_921, %swap3A_922] {strides = array<i32>} : memref<800x64xf32, #tpu.memory_space<vmem>>, vector<1x16xf32>,
      %swap3A_924 = vector.shape_cast %swap3A_923 : vector<1x16xf32> to vector<16xf32>
      %swap3A_925 = vector.shape_cast %get3A_919 : vector<16xf32> to vector<1x16xf32>
      tpu.vector_store %arg9[%swap3A_921, %swap3A_922], %swap3A_925 {strides = array<i32>} : memref<800x64xf32, #tpu.memory_space<vmem>>, vector<1x16xf32>,
      %get3A_926 = arith.constant 8 : i32
      %get3A_927 = arith.index_cast %get3A_926 : i32 to index
      %get3A_928 = arith.constant 16 : index
      %get3A_929 = tpu.vector_load %arg10[%get3A_927, %get3A_928] {strides = array<i32>} : memref<16x64xf32, #tpu.memory_space<vmem>>, vector<1x16xf32>,
      %get3A_930 = vector.shape_cast %get3A_929 : vector<1x16xf32> to vector<16xf32>
      %swap3A_931 = arith.constant 608 : i32
      %swap3A_932 = arith.index_cast %swap3A_931 : i32 to index
      %swap3A_933 = arith.constant 16 : index
      %swap3A_934 = tpu.vector_load %arg9[%swap3A_932, %swap3A_933] {strides = array<i32>} : memref<800x64xf32, #tpu.memory_space<vmem>>, vector<1x16xf32>,
      %swap3A_935 = vector.shape_cast %swap3A_934 : vector<1x16xf32> to vector<16xf32>
      %swap3A_936 = vector.shape_cast %get3A_930 : vector<16xf32> to vector<1x16xf32>
      tpu.vector_store %arg9[%swap3A_932, %swap3A_933], %swap3A_936 {strides = array<i32>} : memref<800x64xf32, #tpu.memory_space<vmem>>, vector<1x16xf32>,
      %get3A_937 = arith.constant 8 : i32
      %get3A_938 = arith.index_cast %get3A_937 : i32 to index
      %get3A_939 = arith.constant 32 : index
      %get3A_940 = tpu.vector_load %arg10[%get3A_938, %get3A_939] {strides = array<i32>} : memref<16x64xf32, #tpu.memory_space<vmem>>, vector<1x16xf32>,
      %get3A_941 = vector.shape_cast %get3A_940 : vector<1x16xf32> to vector<16xf32>
      %swap3A_942 = arith.constant 608 : i32
      %swap3A_943 = arith.index_cast %swap3A_942 : i32 to index
      %swap3A_944 = arith.constant 32 : index
      %swap3A_945 = tpu.vector_load %arg9[%swap3A_943, %swap3A_944] {strides = array<i32>} : memref<800x64xf32, #tpu.memory_space<vmem>>, vector<1x16xf32>,
      %swap3A_946 = vector.shape_cast %swap3A_945 : vector<1x16xf32> to vector<16xf32>
      %swap3A_947 = vector.shape_cast %get3A_941 : vector<16xf32> to vector<1x16xf32>
      tpu.vector_store %arg9[%swap3A_943, %swap3A_944], %swap3A_947 {strides = array<i32>} : memref<800x64xf32, #tpu.memory_space<vmem>>, vector<1x16xf32>,
      %get3A_948 = arith.constant 8 : i32
      %get3A_949 = arith.index_cast %get3A_948 : i32 to index
      %get3A_950 = arith.constant 48 : index
      %get3A_951 = tpu.vector_load %arg10[%get3A_949, %get3A_950] {strides = array<i32>} : memref<16x64xf32, #tpu.memory_space<vmem>>, vector<1x16xf32>,
      %get3A_952 = vector.shape_cast %get3A_951 : vector<1x16xf32> to vector<16xf32>
      %swap3A_953 = arith.constant 608 : i32
      %swap3A_954 = arith.index_cast %swap3A_953 : i32 to index
      %swap3A_955 = arith.constant 48 : index
      %swap3A_956 = tpu.vector_load %arg9[%swap3A_954, %swap3A_955] {strides = array<i32>} : memref<800x64xf32, #tpu.memory_space<vmem>>, vector<1x16xf32>,
      %swap3A_957 = vector.shape_cast %swap3A_956 : vector<1x16xf32> to vector<16xf32>
      %swap3A_958 = vector.shape_cast %get3A_952 : vector<16xf32> to vector<1x16xf32>
      tpu.vector_store %arg9[%swap3A_954, %swap3A_955], %swap3A_958 {strides = array<i32>} : memref<800x64xf32, #tpu.memory_space<vmem>>, vector<1x16xf32>,
      %get3A_959 = arith.constant 9 : i32
      %get3A_960 = arith.index_cast %get3A_959 : i32 to index
      %get3A_961 = arith.constant 0 : index
      %get3A_962 = tpu.vector_load %arg10[%get3A_960, %get3A_961] {strides = array<i32>} : memref<16x64xf32, #tpu.memory_space<vmem>>, vector<1x16xf32>,
      %get3A_963 = vector.shape_cast %get3A_962 : vector<1x16xf32> to vector<16xf32>
      %swap3A_964 = arith.constant 609 : i32
      %swap3A_965 = arith.index_cast %swap3A_964 : i32 to index
      %swap3A_966 = arith.constant 0 : index
      %swap3A_967 = tpu.vector_load %arg9[%swap3A_965, %swap3A_966] {strides = array<i32>} : memref<800x64xf32, #tpu.memory_space<vmem>>, vector<1x16xf32>,
      %swap3A_968 = vector.shape_cast %swap3A_967 : vector<1x16xf32> to vector<16xf32>
      %swap3A_969 = vector.shape_cast %get3A_963 : vector<16xf32> to vector<1x16xf32>
      tpu.vector_store %arg9[%swap3A_965, %swap3A_966], %swap3A_969 {strides = array<i32>} : memref<800x64xf32, #tpu.memory_space<vmem>>, vector<1x16xf32>,
      %get3A_970 = arith.constant 9 : i32
      %get3A_971 = arith.index_cast %get3A_970 : i32 to index
      %get3A_972 = arith.constant 16 : index
      %get3A_973 = tpu.vector_load %arg10[%get3A_971, %get3A_972] {strides = array<i32>} : memref<16x64xf32, #tpu.memory_space<vmem>>, vector<1x16xf32>,
      %get3A_974 = vector.shape_cast %get3A_973 : vector<1x16xf32> to vector<16xf32>
      %swap3A_975 = arith.constant 609 : i32
      %swap3A_976 = arith.index_cast %swap3A_975 : i32 to index
      %swap3A_977 = arith.constant 16 : index
      %swap3A_978 = tpu.vector_load %arg9[%swap3A_976, %swap3A_977] {strides = array<i32>} : memref<800x64xf32, #tpu.memory_space<vmem>>, vector<1x16xf32>,
      %swap3A_979 = vector.shape_cast %swap3A_978 : vector<1x16xf32> to vector<16xf32>
      %swap3A_980 = vector.shape_cast %get3A_974 : vector<16xf32> to vector<1x16xf32>
      tpu.vector_store %arg9[%swap3A_976, %swap3A_977], %swap3A_980 {strides = array<i32>} : memref<800x64xf32, #tpu.memory_space<vmem>>, vector<1x16xf32>,
      %get3A_981 = arith.constant 9 : i32
      %get3A_982 = arith.index_cast %get3A_981 : i32 to index
      %get3A_983 = arith.constant 32 : index
      %get3A_984 = tpu.vector_load %arg10[%get3A_982, %get3A_983] {strides = array<i32>} : memref<16x64xf32, #tpu.memory_space<vmem>>, vector<1x16xf32>,
      %get3A_985 = vector.shape_cast %get3A_984 : vector<1x16xf32> to vector<16xf32>
      %swap3A_986 = arith.constant 609 : i32
      %swap3A_987 = arith.index_cast %swap3A_986 : i32 to index
      %swap3A_988 = arith.constant 32 : index
      %swap3A_989 = tpu.vector_load %arg9[%swap3A_987, %swap3A_988] {strides = array<i32>} : memref<800x64xf32, #tpu.memory_space<vmem>>, vector<1x16xf32>,
      %swap3A_990 = vector.shape_cast %swap3A_989 : vector<1x16xf32> to vector<16xf32>
      %swap3A_991 = vector.shape_cast %get3A_985 : vector<16xf32> to vector<1x16xf32>
      tpu.vector_store %arg9[%swap3A_987, %swap3A_988], %swap3A_991 {strides = array<i32>} : memref<800x64xf32, #tpu.memory_space<vmem>>, vector<1x16xf32>,
      %get3A_992 = arith.constant 9 : i32
      %get3A_993 = arith.index_cast %get3A_992 : i32 to index
      %get3A_994 = arith.constant 48 : index
      %get3A_995 = tpu.vector_load %arg10[%get3A_993, %get3A_994] {strides = array<i32>} : memref<16x64xf32, #tpu.memory_space<vmem>>, vector<1x16xf32>,
      %get3A_996 = vector.shape_cast %get3A_995 : vector<1x16xf32> to vector<16xf32>
      %swap3A_997 = arith.constant 609 : i32
      %swap3A_998 = arith.index_cast %swap3A_997 : i32 to index
      %swap3A_999 = arith.constant 48 : index
      %swap3A_1000 = tpu.vector_load %arg9[%swap3A_998, %swap3A_999] {strides = array<i32>} : memref<800x64xf32, #tpu.memory_space<vmem>>, vector<1x16xf32>,
      %swap3A_1001 = vector.shape_cast %swap3A_1000 : vector<1x16xf32> to vector<16xf32>
      %swap3A_1002 = vector.shape_cast %get3A_996 : vector<16xf32> to vector<1x16xf32>
      tpu.vector_store %arg9[%swap3A_998, %swap3A_999], %swap3A_1002 {strides = array<i32>} : memref<800x64xf32, #tpu.memory_space<vmem>>, vector<1x16xf32>,
      %mul3A_1003 = arith.constant 200 : i32
      %mul3A_1004 = arith.muli %add3A_522, %mul3A_1003 : i32
      %dma_start3A_1005 = arith.constant 0 : i32
      %dma_start3A_1006 = tpu.memref_slice %arg5[%mul3A_1004, %dma_start3A_1005] : memref<819200x64xf32, #tpu.memory_space<hbm>> -> memref<800x64xf32, #tpu.memory_space<hbm>>
      %dma_start3A_1007 = arith.constant 0 : i32
      %dma_start3A_1008 = tpu.memref_slice %arg5[%mul3A_1004, %dma_start3A_1007] : memref<819200x64xf32, #tpu.memory_space<hbm>> -> memref<800x64xf32, #tpu.memory_space<hbm>>
      tpu.enqueue_dma source(%arg9 : memref<800x64xf32, #tpu.memory_space<vmem>>) target(%dma_start3A_1008 : memref<800x64xf32, #tpu.memory_space<hbm>>) target_semaphore(%arg16 : memref<!tpu.dma_semaphore, #tpu.memory_space<semaphore_mem>>)
    }
    %scan3A_18 = arith.constant 16 : i32
    %dma_wait3A = arith.constant 0 : i32
    %dma_wait3A_19 = arith.constant 0 : i32
    %dma_wait3A_20 = tpu.memref_slice %arg5[%dma_wait3A, %dma_wait3A_19] : memref<819200x64xf32, #tpu.memory_space<hbm>> -> memref<800x64xf32, #tpu.memory_space<hbm>>
    %dma_wait3A_21 = arith.constant 0 : i32
    %dma_wait3A_22 = arith.constant 0 : i32
    %dma_wait3A_23 = tpu.memref_slice %arg5[%dma_wait3A_21, %dma_wait3A_22] : memref<819200x64xf32, #tpu.memory_space<hbm>> -> memref<800x64xf32, #tpu.memory_space<hbm>>
    tpu.wait_dma2 semaphore(%arg15 : memref<!tpu.dma_semaphore, #tpu.memory_space<semaphore_mem>>) src(%arg8 : memref<800x64xf32, #tpu.memory_space<vmem>>) dst(%dma_wait3A_23 : memref<800x64xf32, #tpu.memory_space<hbm>>)
    %dma_wait3A_24 = arith.constant 0 : i32
    %dma_wait3A_25 = arith.constant 0 : i32
    %dma_wait3A_26 = tpu.memref_slice %arg5[%dma_wait3A_24, %dma_wait3A_25] : memref<819200x64xf32, #tpu.memory_space<hbm>> -> memref<800x64xf32, #tpu.memory_space<hbm>>
    %dma_wait3A_27 = arith.constant 0 : i32
    %dma_wait3A_28 = arith.constant 0 : i32
    %dma_wait3A_29 = tpu.memref_slice %arg5[%dma_wait3A_27, %dma_wait3A_28] : memref<819200x64xf32, #tpu.memory_space<hbm>> -> memref<800x64xf32, #tpu.memory_space<hbm>>
    tpu.wait_dma2 semaphore(%arg16 : memref<!tpu.dma_semaphore, #tpu.memory_space<semaphore_mem>>) src(%arg9 : memref<800x64xf32, #tpu.memory_space<vmem>>) dst(%dma_wait3A_29 : memref<800x64xf32, #tpu.memory_space<hbm>>)
    return
  }
}

</mosaic_0001>

<sc_bundles>
// kernel: kernel.3.cloned.1.call-start
scs
__scs_entry_jumppad:
0x0: {  	(pc) =	sbr.rel $0x88, $3  }
0x1: {  	(tag) =	ssettag $0x0;
	lr =	simm.s32 $0x1  }
0x2: {  	[smem:$0x3F9E] =	sst lr;
	_ =	strace $0xD0000000  }
0x3: {  	_ = 	snop  }
0x4: {  	_ = 	snop  }
0x5: {  	_ = 	snop  }
0x6: {  	_ = 	snop  }
0x7: {  	_ = 	snop  }
__scs_overlays_trampoline_lowered:
0x8: {  	[smem:$0x3FAD] =	sst s0  }
0x9: {  	[smem:$0x3FAE] =	sst s1  }
0xa: {  	[smem:$0x3FAF] =	sst s2  }
0xb: {  	[smem:$0x3FB0] =	sst s3  }
0xc: {  	[smem:$0x3FB1] =	sst s4  }
0xd: {  	[smem:$0x3FB2] =	sst s5  }
0xe: {  	[smem:$0x3FB3] =	sst s6  }
0xf: {  	[smem:$0x3FB4] =	sst s7  }
0x10: {  	[smem:$0x3FB5] =	sst s8  }
0x11: {  	[smem:$0x3FB6] =	sst s9;
	s0 =	simm.s32 @!p0 $0x0  }
0x12: {  	s1 =	sld [smem:$0x3F9C];
	s0 =	simm.s32 @p0 $0x1  }
0x13: {  	[smem:$0x3FB7] =	sst s0;
	s0 =	simm.s32 @!p1 $0x0  }
0x14: {  	s2 =	sld [smem:$0x3F9B];
	s0 =	simm.s32 @p1 $0x1  }
0x15: {  	[smem:$0x3FB8] =	sst s0;
	s0 =	simm.s32 @!p2 $0x0  }
0x16: {  	s3 =	sld [smem:$0x3FDB];
	s0 =	simm.s32 @p2 $0x1  }
0x17: {  	s4 =	simm.s32 $0x1BF5;
	[smem:$0x3FBA] =	sst s0  }
0x18: {  	s0 =	sld [smem:$0x3F9D];
	_ =	swait.ge [sflag:s4], $0x0  }
0x19: {  	s7 =	sld [smem:$0x3F9E]  }
0x1a: {  	s8 =	sadd.s32 $0xFFFFE003, lr  }
0x1b: {  	s9 =	sadd.s32 $0xFFFFFEF7, lr;
	s5 =	simm.s32 $0xFFFFFFFF;
	p2 =	slt.u32 s8, $0xFFFFF086  }
0x1c: {  	p1 =	slt.u32 s9, $0xF7A;
	s5 =	simm.s32 @!p2 $0x0  }
0x1d: {  	s5 =	simm.s32 @p1 $0x1;
	p0 =	seq.s32 s7, s2  }
0x1e: {  	s7 =	smul.u32 @!p0 $0xF7A, s2;
	p2 =	seq.s32 @!p0 s5, $0x0  }
0x1f: {  	s9 =	smul.u32 $0xF7A, s1;
	s8 =	simm.s32 @!p0 $0x1BF5;
	p2 =	por !p2, p0  }
0x20: {  	[sflag:s8] =	ssyncset.s32 @!p0 $0xFFFFF086;
	s6 =	sadd.s32 @!p0 s3, s7;
	s7 =	simm.s32 @!p0 $0x108  }
0x21: {  	s3 =	sadd.s32 s3, s9;
	s6 =	sadd.s32 @!p0 $0x88, s6;
	s7 =	simm.s32 @p2 $0x1082  }
0x22: {  	[simem:s7], [sflag:s8] =	dma.local @!p0 [hbm:s6], $0xF7A  }
0x23: {  	s9 =	sor.u32 $0xD0000000, s2;
	s6 =	simm.s32 $0x108;
	_ =	swait.ge @!p0 [sflag:s8], $0x0  }
0x24: {  	s3 =	sadd.s32 $0x88, s3;
	s6 =	simm.s32 @!p1 $0x1082;
	[sflag:s4] =	ssyncset.s32 $0xFFFFF086  }
0x25: {  	[simem:s6], [sflag:s4] =	dma.local [hbm:s3], $0xF7A  }
0x26: {  	[smem:$0x3F9E] =	sst s1;
	(tag) =	ssettag s2;
	_ =	strace s9  }
0x27: {  	s1 =	sld [smem:$0x3FAE]  }
0x28: {  	s2 =	sld [smem:$0x3FAF]  }
0x29: {  	s4 =	sld [smem:$0x3FB1]  }
0x2a: {  	p0 =	seq.s32 s5, $0x0;
	s5 =	sld [smem:$0x3FB2]  }
0x2b: {  	s6 =	sld [smem:$0x3FB3]  }
0x2c: {  	s7 =	sld [smem:$0x3FB4]  }
0x2d: {  	s3 =	simm.s32 $0x108;
	s8 =	sld [smem:$0x3FB5]  }
0x2e: {  	s3 =	simm.s32 @!p0 $0x1082;
	s9 =	sld [smem:$0x3FB6]  }
0x2f: {  	lr =	sadd.s32 s0, s3;
	s0 =	sld [smem:$0x3FAD]  }
0x30: {  	s3 =	sld [smem:$0x3FB0]  }
0x31: {  	[smem:$0x3FB9] =	sst s10  }
0x32: {  	s10 =	sld [smem:$0x3FB7];
	_ =	sdelay $0x3  }
0x33: {  	p0 =	seq.s32 s10, $0x1;
	s10 =	sld [smem:$0x3FB9];
	_ =	sdelay $0x3  }
0x34: {  	[smem:$0x3FB9] =	sst s10  }
0x35: {  	s10 =	sld [smem:$0x3FB8];
	_ =	sdelay $0x3  }
0x36: {  	p1 =	seq.s32 s10, $0x1;
	s10 =	sld [smem:$0x3FB9];
	_ =	sdelay $0x3  }
0x37: {  	[smem:$0x3FB9] =	sst s10  }
0x38: {  	s10 =	sld [smem:$0x3FBA]  }
0x39: {  	_ = 	snop;
	(pc) =	sbr.ind lr, $3  }
0x3a: {  	_ = 	snop  }
0x3b: {  	_ = 	snop  }
0x3c: {  	p2 =	seq.s32 s10, $0x1;
	s10 =	sld [smem:$0x3FB9]  }
0x3d: {  	_ =	shalt  }
0x3e: {  	_ =	shalt  }
0x3f: {  	_ =	shalt  }
0x40: {  	_ =	shalt  }
0x41: {  	_ =	shalt  }
0x42: {  	_ =	shalt  }
0x43: {  	_ =	shalt  }
0x44: {  	_ =	shalt  }
0x45: {  	_ =	shalt  }
0x46: {  	_ =	shalt  }
0x47: {  	_ =	shalt  }
0x48: {  	_ =	shalt  }
0x49: {  	_ =	shalt  }
0x4a: {  	_ =	shalt  }
0x4b: {  	_ =	shalt  }
0x4c: {  	_ =	shalt  }
0x4d: {  	_ =	shalt  }
0x4e: {  	_ =	shalt  }
0x4f: {  	_ =	shalt  }
0x50: {  	_ =	shalt  }
0x51: {  	_ =	shalt  }
0x52: {  	_ =	shalt  }
0x53: {  	_ =	shalt  }
0x54: {  	_ =	shalt  }
0x55: {  	_ =	shalt  }
0x56: {  	_ =	shalt  }
0x57: {  	_ =	shalt  }
0x58: {  	_ =	shalt  }
0x59: {  	_ =	shalt  }
0x5a: {  	_ =	shalt  }
0x5b: {  	_ =	shalt  }
0x5c: {  	_ =	shalt  }
0x5d: {  	_ =	shalt  }
0x5e: {  	_ =	shalt  }
0x5f: {  	_ =	shalt  }
0x60: {  	_ =	shalt  }
0x61: {  	_ =	shalt  }
0x62: {  	_ =	shalt  }
0x63: {  	_ =	shalt  }
0x64: {  	_ =	shalt  }
0x65: {  	_ =	shalt  }
0x66: {  	_ =	shalt  }
0x67: {  	_ =	shalt  }
0x68: {  	_ =	shalt  }
0x69: {  	_ =	shalt  }
0x6a: {  	_ =	shalt  }
0x6b: {  	_ =	shalt  }
0x6c: {  	_ =	shalt  }
0x6d: {  	_ =	shalt  }
0x6e: {  	_ =	shalt  }
0x6f: {  	_ =	shalt  }
0x70: {  	_ =	shalt  }
0x71: {  	_ =	shalt  }
0x72: {  	_ =	shalt  }
0x73: {  	_ =	shalt  }
0x74: {  	_ =	shalt  }
0x75: {  	_ =	shalt  }
0x76: {  	_ =	shalt  }
0x77: {  	_ =	shalt  }
0x78: {  	_ =	shalt  }
0x79: {  	_ =	shalt  }
0x7a: {  	_ =	shalt  }
0x7b: {  	_ =	shalt  }
0x7c: {  	_ =	shalt  }
0x7d: {  	_ =	shalt  }
0x7e: {  	_ =	shalt  }
0x7f: {  	_ =	shalt  }
0x80: {  	_ =	shalt  }
0x81: {  	_ =	shalt  }
0x82: {  	_ =	shalt  }
0x83: {  	_ =	shalt  }
0x84: {  	_ =	shalt  }
0x85: {  	_ =	shalt  }
0x86: {  	_ =	shalt  }
0x87: {  	_ =	shalt  }
.Lfunc_end0:
.L_simem_size_0:
called_computation.1_lowered:
.L_overlay_start_0:
0x88: {  	s2 =	sld [smem:$0x3FD9]  }
0x89: {  	s3 =	sld [smem:$0x3FFE];
	_ =	sdelay $0x1  }
0x8a: {  	s1 =	srdreg.scid  }
0x8b: {  	s0 =	sand.u32 $0x1, s1  }
0x8c: {  	s17 =	sshll.u32 s0, $0xA;
	s2 =	sadd.s32 s3, s2  }
0x8d: {  	s2 =	sadd.s32 s2, s17  }
0x8e: {  	[smem:$0x3FC5] =	sst s2  }
0x8f: {  	_ = 	snop  }
0x90: {  	s2 =	sld [smem:$0x3FD0];
	(tm) =	ssettm $0x1  }
0x91: {  	s18 =	sld [smem:$0x3FFB];
	_ =	sdelay $0x3  }
0x92: {  	_ =	strace s18  }
0x93: {  	s3 =	sld [smem:$0x3FFC];
	_ =	sdelay $0x3  }
0x94: {  	_ =	strace s3  }
0x95: {  	s3 =	sld [smem:$0x3FFD];
	_ =	sdelay $0x3  }
0x96: {  	_ =	strace s3  }
0x97: {  	_ =	strace $0x8FFFFFFF  }
0x98: {  	s19 =	sld [smem:$0x3FDB];
	_ =	sdelay $0x1  }
0x99: {  	s4 =	simm.s32 $_scs_section_size  }
0x9a: {  	s5 =	simm.s32 $_size__tile_overlayer_lowered;
	s6 =	simm.s32 $_tile_overlayer_lowered  }
0x9b: {  	s22 =	simm.s32 $0x1BFF;
	s21 =	sshll.u32 s6, $0x1;
	s3 =	sadd.s32 s4, s19  }
0x9c: {  	s7 =	simm.s32 $0x0;
	s20 =	sshll.u32 s5, $0x1;
	s5 =	sadd.s32 s21, s3  }
0x9d: {  	[timem:s7], [sflag:s22] =	dma.local [hbm:s5], s20  }
0x9e: {  	_ =	swait.ge [sflag:s22], s20  }
0x9f: {  	s4 =	ssub.s32 $0x0, s20;
	[sflag:s22] =	ssyncset.done $0x0  }
0xa0: {  	[sflag:s22] =	ssyncadd.s32 s4;
	_ =	sdelay $0x1  }
0xa1: {  	s23 =	simm.s32 $0x1B8B  }
0xa2: {  	_ =	swait.ge [sflag:s23], $0x1  }
0xa3: {  	[sflag:s23] =	ssyncset.done $0x0  }
0xa4: {  	s25 =	simm.s32 $0x1B8E;
	s24 =	sld [smem:$0x3FFE];
	[sflag:s23] =	ssyncadd.s32 $0xFFFFFFFF  }
0xa5: {  	s26 =	simm.s32 $execute0_lowered;
	[smem:$0x3FD2] =	sst s25  }
0xa6: {  	s5 =	sshll.u32 s26, $0x1;
	_ =	strace $0x80000046;
	[dreg:$0x1] =	wrdreg $0xFFFFFFFF  }
0xa7: {  	s28 =	simm.s32 $_size_execute0_lowered;
	s3 =	sadd.s32 s3, s5;
	[dreg:$0x0] =	wrdreg $0x0  }
0xa8: {  	s5 =	sshll.u32 s28, $0x1;
	[dreg:$0x2] =	wrdreg s3  }
0xa9: {  	[dreg:$0x3] =	wrdreg s5  }
0xaa: {  	[dreg:$0x4] =	wrdreg $0xC0  }
0xab: {  	_ =	task [dreg:s7], $0x5FFFF  }
0xac: {  	[dreg:$0x1] =	wrdreg $0xFFFFFFFF  }
0xad: {  	[dreg:$0x0] =	wrdreg $0x60  }
0xae: {  	[dreg:$0x2] =	wrdreg s24  }
0xaf: {  	[dreg:$0x3] =	wrdreg s2  }
0xb0: {  	[dreg:$0x4] =	wrdreg $0x9  }
0xb1: {  	_ =	task.clear_ibuf [dreg:s7], $0x5FFFF;
	_ =	strace $0x90000046  }
0xb2: {  	s29 =	simm.s32 $0x9;
	_ =	strace $0x80000048  }
0xb3: {  	_ =	swait.ge [sflag:s29], $0x1  }
0xb4: {  	[sflag:s29] =	ssyncadd.s32 $0xFFFFFFFF  }
0xb5: {  	_ =	strace $0x90000048  }
0xb6: {  	_ =	sfence  }
0xb7: {  	s30 =	sld [smem:$0x0];
	_ =	sdelay $0x2  }
0xb8: {  	s31 =	sshll.u32 s1, $0xD;
	s1 =	sshrl.u32 s1, $0x2  }
0xb9: {  	s3 =	sand.u32 $0x4000, s31;
	s1 =	sadd.s32 s1, s30  }
0xba: {  	s0 =	sor.u32 s3, s0;
	s1 =	sshll.u32 s1, $0x11  }
0xbb: {  	s0 =	sor.u32 s1, s0  }
0xbc: {  	s0 =	sadd.s32 $0x8F2B, s0  }
0xbd: {  	[sflag:s0] =	ssyncadd.remote.s32 $0x1  }
0xbe: {  	_ =	sfence.sel $0xFFFF  }
0xbf: {  	[dreg:$0x0] =	wrdreg $0xFFFFFFFF;
	(pc) =	sbr.abs _section_cstart, $3  }
0xc0: {  	[dreg:$0x1] =	wrdreg $0xFFFFFFFF  }
0xc1: {  	_ =	task.clear_ibuf [dreg:s7], $0x2FFFF;
	_ =	strace $0x9FFFFFFF  }
0xc2: {  	(tm) =	ssettm $0x7FFFFFFF  }
0xc3: {  	_ =	shalt  }
tec
execute0_lowered:
.L_overlay_start_1:
0x0: {  	(tag) =	ssettag $0x1  }
0x1: {  	s0 =	rddreg [dreg:$0x0]  }
0x2: {  	s2 =	rddreg [dreg:$0x1]  }
0x3: {  	s1 =	simm.s32 $0x0;
	s4 =	srdreg.scid;
	s11 =	stileid.u32  }
0x4: {  	s24 =	simm.s32 $0x8;
	s25 =	simm.s32 $0x840;
	s26 =	simm.s32 $0x68  }
0x5: {  	s12 =	simm.s32 $0x130;
	s13 =	simm.s32 $0x5240;
	[smem:$0x7FF] =	sst s1  }
0x6: {  	s14 =	simm.s32 $0x198;
	_ =	strace $0x80000047;
	[dreg:$0x4] =	wrdreg s24  }
0x7: {  	s15 =	simm.s32 $0x6C40;
	s16 =	simm.s32 $0x1F8;
	[dreg:$0x5] =	wrdreg s25  }
0x8: {  	s17 =	simm.s32 $0x8440;
	s18 =	simm.s32 $0x260;
	[dreg:$0x6] =	wrdreg s26  }
0x9: {  	s19 =	simm.s32 $0x9E40;
	s20 =	simm.s32 $0x2C0;
	[dreg:$0xa] =	wrdreg s12  }
0xa: {  	s21 =	simm.s32 $0xB640;
	s28 =	simm.s32 $0x4B8;
	[dreg:$0xb] =	wrdreg s13  }
0xb: {  	s29 =	simm.s32 $0x13440;
	s30 =	simm.s32 $0x518;
	[dreg:$0xc] =	wrdreg s14  }
0xc: {  	s31 =	simm.s32 $0x14C40;
	s5 =	sadd.s32 $0xC00, s0;
	[dreg:$0xd] =	wrdreg s15  }
0xd: {  	s3 =	sadd.s32 $0xF43000, s0;
	s6 =	sand.u32 $0x1, s4;
	[dreg:$0xe] =	wrdreg s16  }
0xe: {  	s7 =	smul.u32 $0x1900, s11;
	s4 =	sadd.s32 $0x19C00, s0;
	[dreg:$0xf] =	wrdreg s17  }
0xf: {  	s22 =	sshll.u32 s11, $0x1;
	s8 =	smul.u32 $0xC80, s6;
	[dreg:$0x10] =	wrdreg s18  }
0x10: {  	s9 =	ssub.s32 $0x2, s6;
	s0 =	sor.u32 s6, s22;
	[dreg:$0x11] =	wrdreg s19  }
0x11: {  	s6 =	smul.u32 $0x32000, s6;
	s15 =	simm.s32 $0xCE40;
	[dreg:$0x12] =	wrdreg s20  }
0x12: {  	[dreg:$0x13] =	wrdreg s21;
	s22 =	simm.s32 $0x328;
	s24 =	simm.s32 $0x388  }
0x13: {  	s20 =	simm.s32 $0x1;
	s25 =	simm.s32 $0xE840;
	s21 =	simm.s32 $0x60  }
0x14: {  	s26 =	simm.s32 $0x3F0;
	s12 =	simm.s32 $0x17E40;
	[dreg:$0x14] =	wrdreg s22  }
0x15: {  	s13 =	simm.s32 $0x4;
	s17 =	simm.s32 $0x0;
	[dreg:$0x16] =	wrdreg s24  }
0x16: {  	s7 =	sadd.s32 s7, s5;
	s10 =	sshrl.u32 s9, $0x1;
	[dreg:$0x17] =	wrdreg s25  }
0x17: {  	s0 =	smul.u32 $0xC80, s0;
	s22 =	simm.s32 $0x3;
	[dreg:$0x18] =	wrdreg s26  }
0x18: {  	s24 =	simm.s32 $0x10240;
	s25 =	simm.s32 $0x450;
	s7 =	sadd.s32 s8, s7  }
0x19: {  	s26 =	simm.s32 $0x11A40;
	s8 =	simm.s32 $0x2040;
	[dreg:$0x3] =	wrdreg s7  }
0x1a: {  	s23 =	ssub.s32 s9, s10;
	s10 =	simm.s32 $0xD0;
	[dreg:$0x7] =	wrdreg s8  }
0x1b: {  	s9 =	smul.u32 $0x64000, s11;
	s11 =	simm.s32 $0x3A40;
	[dreg:$0x8] =	wrdreg s10  }
0x1c: {  	s5 =	sadd.s32 s5, s0;
	s7 =	smax.u32 s23, $0x1;
	[dreg:$0x9] =	wrdreg s11  }
0x1d: {  	s10 =	simm.s32 $0x7;
	s11 =	simm.s32 $0x640;
	[dreg:$0x19] =	wrdreg s5  }
0x1e: {  	s23 =	simm.s32 $0xD040;
	s0 =	simm.s32 $0x580;
	[dreg:$0x1b] =	wrdreg s7  }
0x1f: {  	s5 =	sadd.s32 $0x64, s5;
	s2 =	sadd.s32 s9, s2;
	[dreg:$0x15] =	wrdreg s23  }
0x20: {  	s23 =	simm.s32 $0x2;
	[dreg:$0x1a] =	wrdreg s5;
	s2 =	sadd.s32 s6, s2  }
0x21: {  	s9 =	simm.s32 $0x5E0;
	[dreg:$0x1c] =	wrdreg s2;
	s2 =	simm.s32 $0x16640  }
.LBB2_1:
0x22: {  	s5 =	simm.s32 $0x19640  }
0x23: {  	[tilespmem:s5], [sflag:$0x7] =	stream.linear.gather [hbm4b:s4+s1], $0x280, $0x38;
	[tilespmem:$0x19A40] =	vst v63  }
0x24: {  	_ =	swait.ge [sflag:s10], $0x280  }
0x25: {  	[sflag:s10] =	ssyncset.done $0x0  }
0x26: {  	[sflag:s10] =	ssyncadd.s32 $0xFFFFFD80  }
0x27: {  	[tilespmem:s11], [sflag:$0x7] =	stream.linear.gather [hbm4b:s4+s1], $0x200, $0x38;
	[tilespmem:$0x19A40] =	vst v63  }
0x28: {  	_ =	swait.ge [sflag:s10], $0x200  }
0x29: {  	[sflag:s10] =	ssyncset.done $0x0  }
0x2a: {  	s19 =	simm.s32 $0x3840;
	[sflag:s10] =	ssyncadd.s32 $0xFFFFFE00  }
0x2b: {  	[tilespmem:s19], [sflag:$0x7] =	stream.linear.gather [hbm4b:s4+s1], $0x200, $0x38;
	[tilespmem:$0x19A40] =	vst v63  }
0x2c: {  	_ =	swait.ge [sflag:s10], $0x200  }
0x2d: {  	[sflag:s10] =	ssyncset.done $0x0  }
0x2e: {  	s6 =	simm.s32 $0x6A40;
	[sflag:s10] =	ssyncadd.s32 $0xFFFFFE00  }
0x2f: {  	[tilespmem:s6], [sflag:$0x7] =	stream.linear.gather [hbm4b:s4+s1], $0x200, $0x38;
	[tilespmem:$0x19A40] =	vst v63  }
0x30: {  	_ =	swait.ge [sflag:s10], $0x200  }
0x31: {  	[sflag:s10] =	ssyncset.done $0x0  }
0x32: {  	s7 =	simm.s32 $0x9C40;
	[sflag:s10] =	ssyncadd.s32 $0xFFFFFE00  }
0x33: {  	[tilespmem:s7], [sflag:$0x7] =	stream.linear.gather [hbm4b:s4+s1], $0x200, $0x38;
	[tilespmem:$0x19A40] =	vst v63  }
0x34: {  	_ =	swait.ge [sflag:s10], $0x200  }
0x35: {  	[sflag:s10] =	ssyncset.done $0x0  }
0x36: {  	[sflag:s10] =	ssyncadd.s32 $0xFFFFFE00  }
0x37: {  	[tilespmem:s15], [sflag:$0x7] =	stream.linear.gather [hbm4b:s4+s1], $0x200, $0x38;
	[tilespmem:$0x19A40] =	vst v63  }
0x38: {  	_ =	swait.ge [sflag:s10], $0x200  }
0x39: {  	[sflag:s10] =	ssyncset.done $0x0  }
0x3a: {  	s8 =	simm.s32 $0x10040;
	[sflag:s10] =	ssyncadd.s32 $0xFFFFFE00  }
0x3b: {  	[tilespmem:s8], [sflag:$0x7] =	stream.linear.gather [hbm4b:s4+s1], $0x200, $0x38;
	[tilespmem:$0x19A40] =	vst v63  }
0x3c: {  	_ =	swait.ge [sflag:s10], $0x200  }
0x3d: {  	[sflag:s10] =	ssyncset.done $0x0  }
0x3e: {  	s14 =	simm.s32 $0x13240;
	[sflag:s10] =	ssyncadd.s32 $0xFFFFFE00  }
0x3f: {  	[tilespmem:s14], [sflag:$0x7] =	stream.linear.gather [hbm4b:s4+s1], $0x200, $0x38;
	[tilespmem:$0x19A40] =	vst v63  }
0x40: {  	_ =	swait.ge [sflag:s10], $0x200  }
0x41: {  	[sflag:s10] =	ssyncset.done $0x0  }
0x42: {  	s16 =	simm.s32 $0x16440;
	[sflag:s10] =	ssyncadd.s32 $0xFFFFFE00  }
0x43: {  	[tilespmem:s16], [sflag:$0x7] =	stream.linear.gather [hbm4b:s4+s1], $0x200, $0x38;
	[tilespmem:$0x19A40] =	vst v63  }
0x44: {  	_ =	swait.ge [sflag:s10], $0x200  }
0x45: {  	[sflag:s10] =	ssyncset.done $0x0  }
0x46: {  	s18 =	rddreg [dreg:$0x19];
	[sflag:s10] =	ssyncadd.s32 $0xFFFFFE00  }
0x47: {  	[tilespmem:s1], [sflag:$0x1] =	stream.linear.gather [hbm4b:s18+s1], $0x320, $0x38;
	[tilespmem:$0x19A40] =	vst v63  }
0x48: {  	s6 =	simm.s32 $0x320;
	s19 =	rddreg [dreg:$0x1a]  }
0x49: {  	[tilespmem:s6], [sflag:$0x2] =	stream.linear.gather [hbm4b:s19+s1], $0x320, $0x38;
	[tilespmem:$0x19A40] =	vst v63  }
0x4a: {  	s8 =	rddreg [dreg:$0x1c];
	s19 =	simm.s32 $0x0  }
.LBB2_2:
0x4b: {  	_ =	swait.ge [sflag:s20], $0x320  }
0x4c: {  	p0 =	seq.s32 s19, $0x0;
	[sflag:s20] =	ssyncset.done $0x0  }
0x4d: {  	s6 =	simm.s32 @!p0 $0x5;
	[sflag:s20] =	ssyncadd.s32 $0xFFFFFCE0  }
0x4e: {  	_ =	swait.ge @!p0 [sflag:s6], $0xC800  }
0x4f: {  	s7 =	rddreg [dreg:$0x4]  }
0x50: {  	s5 =	rddreg [dreg:$0x5]  }
0x51: {  	s18 =	rddreg [dreg:$0x6]  }
0x52: {  	s16 =	rddreg [dreg:$0x7]  }
0x53: {  	[sflag:s6] =	ssyncset.done @!p0 $0x0;
	s14 =	rddreg [dreg:$0xa]  }
0x54: {  	[sflag:s6] =	ssyncadd.s32 @!p0 $0xFFFF3800;
	s6 =	rddreg [dreg:$0x8]  }
0x55: {  	[tilespmem:s5], [sflag:$0x3] =	stream.indirect.gather [hbm4b:s3+s21], $0x40, s7, s21, $0xb8;
	[tilespmem:$0x19A40] =	vst v63  }
0x56: {  	s7 =	rddreg [dreg:$0x9]  }
0x57: {  	[tilespmem:s16], [sflag:$0x3] =	stream.indirect.gather [hbm4b:s3+s21], $0x40, s18, s21, $0xb8;
	[tilespmem:$0x19A40] =	vst v63  }
0x58: {  	s16 =	rddreg [dreg:$0xb]  }
0x59: {  	[tilespmem:s7], [sflag:$0x3] =	stream.indirect.gather [hbm4b:s3+s21], $0x40, s6, s21, $0xb8;
	[tilespmem:$0x19A40] =	vst v63  }
0x5a: {  	s6 =	rddreg [dreg:$0xc]  }
0x5b: {  	s7 =	rddreg [dreg:$0xd]  }
0x5c: {  	[tilespmem:s16], [sflag:$0x3] =	stream.indirect.gather [hbm4b:s3+s21], $0x40, s14, s21, $0xb8;
	[tilespmem:$0x19A40] =	vst v63  }
0x5d: {  	s14 =	rddreg [dreg:$0xe]  }
0x5e: {  	s16 =	rddreg [dreg:$0xf]  }
0x5f: {  	[tilespmem:s7], [sflag:$0x3] =	stream.indirect.gather [hbm4b:s3+s21], $0x40, s6, s21, $0xb8;
	[tilespmem:$0x19A40] =	vst v63  }
0x60: {  	s6 =	rddreg [dreg:$0x10]  }
0x61: {  	s7 =	rddreg [dreg:$0x11]  }
0x62: {  	[tilespmem:s16], [sflag:$0x3] =	stream.indirect.gather [hbm4b:s3+s21], $0x40, s14, s21, $0xb8;
	[tilespmem:$0x19A40] =	vst v63  }
0x63: {  	s14 =	rddreg [dreg:$0x12]  }
0x64: {  	[tilespmem:s7], [sflag:$0x3] =	stream.indirect.gather [hbm4b:s3+s21], $0x40, s6, s21, $0xb8;
	[tilespmem:$0x19A40] =	vst v63  }
0x65: {  	s16 =	rddreg [dreg:$0x13]  }
0x66: {  	[tilespmem:s16], [sflag:$0x3] =	stream.indirect.gather [hbm4b:s3+s21], $0x40, s14, s21, $0xb8;
	[tilespmem:$0x19A40] =	vst v63  }
0x67: {  	_ =	swait.ge [sflag:s22], $0x3000  }
0x68: {  	[sflag:s22] =	ssyncset.done $0x0  }
0x69: {  	[sflag:s22] =	ssyncadd.s32 $0xFFFFD000  }
0x6a: {  	_ =	swait.ge [sflag:s22], $0x3000  }
0x6b: {  	[sflag:s22] =	ssyncset.done $0x0  }
0x6c: {  	[sflag:s22] =	ssyncadd.s32 $0xFFFFD000  }
0x6d: {  	_ =	swait.ge [sflag:s22], $0x3000  }
0x6e: {  	[sflag:s22] =	ssyncset.done $0x0  }
0x6f: {  	[sflag:s22] =	ssyncadd.s32 $0xFFFFD000  }
0x70: {  	_ =	swait.ge [sflag:s22], $0x3000  }
0x71: {  	p1 =	seq.s32 s19, $0xBB8;
	s5 =	rddreg [dreg:$0x3]  }
0x72: {  	[sflag:s22] =	ssyncset.done $0x0;
	s6 =	sadd.s32 @!p1 s19, s5  }
0x73: {  	s7 =	simm.s32 @!p1 $0x0;
	[sflag:s22] =	ssyncadd.s32 $0xFFFFD000;
	s5 =	sadd.s32 @!p1 $0xC8, s6  }
0x74: {  	[tilespmem:s7], [sflag:$0x1] =	stream.linear.gather @!p1 [hbm4b:s5+s7], $0x320, $0x38;
	[tilespmem:$0x19A40] =	vst v63  }
0x75: {  	v0 =	vld [tilespmem:$0x19840]  }
0x76: {  	v1 =	vld [tilespmem:$0x19850]  }
0x77: {  	v2 =	vld [tilespmem:$0x19860]  }
0x78: {  	v3 =	vld [tilespmem:$0x19870]  }
0x79: {  	v4 =	vld [tilespmem:$0x19880]  }
0x7a: {  	v61 =	vld [tilespmem:$0x19890];
	[tilespmem:$0x840] =	vst v0  }
0x7b: {  	v62 =	vld [tilespmem:$0x198A0];
	[tilespmem:$0x850] =	vst v1  }
0x7c: {  	v63 =	vld [tilespmem:$0x198B0];
	[tilespmem:$0x860] =	vst v2  }
0x7d: {  	v8 =	vld [tilespmem:$0x19840];
	[tilespmem:$0x870] =	vst v3  }
0x7e: {  	v9 =	vld [tilespmem:$0x19850];
	[tilespmem:$0x880] =	vst v4  }
0x7f: {  	v10 =	vld [tilespmem:$0x19860];
	[tilespmem:$0x890] =	vst v61  }
0x80: {  	v11 =	vld [tilespmem:$0x19870];
	[tilespmem:$0x8A0] =	vst v62  }
0x81: {  	v12 =	vld [tilespmem:$0x19880];
	[tilespmem:$0x8B0] =	vst v63  }
0x82: {  	v13 =	vld [tilespmem:$0x19890];
	[tilespmem:$0x3A40] =	vst v8  }
0x83: {  	v14 =	vld [tilespmem:$0x198A0];
	[tilespmem:$0x3A50] =	vst v9  }
0x84: {  	v15 =	vld [tilespmem:$0x198B0];
	[tilespmem:$0x3A60] =	vst v10  }
0x85: {  	v16 =	vld [tilespmem:$0x19840];
	[tilespmem:$0x3A70] =	vst v11  }
0x86: {  	v17 =	vld [tilespmem:$0x19850];
	[tilespmem:$0x3A80] =	vst v12  }
0x87: {  	v18 =	vld [tilespmem:$0x19860];
	[tilespmem:$0x3A90] =	vst v13  }
0x88: {  	v19 =	vld [tilespmem:$0x19870];
	[tilespmem:$0x3AA0] =	vst v14  }
0x89: {  	v20 =	vld [tilespmem:$0x19880];
	[tilespmem:$0x3AB0] =	vst v15  }
0x8a: {  	v21 =	vld [tilespmem:$0x19890];
	[tilespmem:$0x6C40] =	vst v16  }
0x8b: {  	v22 =	vld [tilespmem:$0x198A0];
	[tilespmem:$0x6C50] =	vst v17  }
0x8c: {  	v23 =	vld [tilespmem:$0x198B0];
	[tilespmem:$0x6C60] =	vst v18  }
0x8d: {  	v24 =	vld [tilespmem:$0x19840];
	[tilespmem:$0x6C70] =	vst v19  }
0x8e: {  	v25 =	vld [tilespmem:$0x19850];
	[tilespmem:$0x6C80] =	vst v20  }
0x8f: {  	v26 =	vld [tilespmem:$0x19860];
	[tilespmem:$0x6C90] =	vst v21  }
0x90: {  	v27 =	vld [tilespmem:$0x19870];
	[tilespmem:$0x6CA0] =	vst v22  }
0x91: {  	v28 =	vld [tilespmem:$0x19880];
	[tilespmem:$0x6CB0] =	vst v23  }
0x92: {  	v29 =	vld [tilespmem:$0x19890];
	[tilespmem:$0x9E40] =	vst v24  }
0x93: {  	v30 =	vld [tilespmem:$0x198A0];
	[tilespmem:$0x9E50] =	vst v25  }
0x94: {  	v31 =	vld [tilespmem:$0x198B0];
	[tilespmem:$0x9E60] =	vst v26  }
0x95: {  	[tilespmem:$0x9E70] =	vst v27  }
0x96: {  	[tilespmem:$0x9E80] =	vst v28  }
0x97: {  	[tilespmem:$0x9E90] =	vst v29  }
0x98: {  	[tilespmem:$0x9EA0] =	vst v30  }
0x99: {  	[tilespmem:$0x9EB0] =	vst v31  }
0x9a: {  	[hbm4b:s8+s1] =	stream.linear.scatter [tilespmem:s11], [sflag:$0x5], $0xC800, $0x38;
	[tilespmem:$0x19A40] =	vst v63  }
0x9b: {  	_ =	swait.ge [sflag:s23], $0x320  }
0x9c: {  	[sflag:s23] =	ssyncset.done $0x0  }
0x9d: {  	s5 =	simm.s32 @!p0 $0x6;
	[sflag:s23] =	ssyncadd.s32 $0xFFFFFCE0  }
0x9e: {  	_ =	swait.ge @!p0 [sflag:s5], $0xC800  }
0x9f: {  	s18 =	rddreg [dreg:$0x14]  }
0xa0: {  	s14 =	rddreg [dreg:$0x15];
	[sflag:s5] =	ssyncset.done @!p0 $0x0  }
0xa1: {  	s16 =	rddreg [dreg:$0x16];
	[sflag:s5] =	ssyncadd.s32 @!p0 $0xFFFF3800  }
0xa2: {  	[tilespmem:s14], [sflag:$0x4] =	stream.indirect.gather [hbm4b:s3+s21], $0x40, s18, s21, $0xb8;
	[tilespmem:$0x19A40] =	vst v63  }
0xa3: {  	s5 =	rddreg [dreg:$0x17]  }
0xa4: {  	[tilespmem:s5], [sflag:$0x4] =	stream.indirect.gather [hbm4b:s3+s21], $0x40, s16, s21, $0xb8;
	[tilespmem:$0x19A40] =	vst v63  }
0xa5: {  	s18 =	rddreg [dreg:$0x18]  }
0xa6: {  	[tilespmem:s24], [sflag:$0x4] =	stream.indirect.gather [hbm4b:s3+s21], $0x40, s18, s21, $0xb8;
	[tilespmem:$0x19A40] =	vst v63  }
0xa7: {  	_ = 	snop  }
0xa8: {  	[tilespmem:s26], [sflag:$0x4] =	stream.indirect.gather [hbm4b:s3+s21], $0x40, s25, s21, $0xb8;
	[tilespmem:$0x19A40] =	vst v63  }
0xa9: {  	_ = 	snop  }
0xaa: {  	[tilespmem:s29], [sflag:$0x4] =	stream.indirect.gather [hbm4b:s3+s21], $0x40, s28, s21, $0xb8;
	[tilespmem:$0x19A40] =	vst v63  }
0xab: {  	_ = 	snop  }
0xac: {  	[tilespmem:s31], [sflag:$0x4] =	stream.indirect.gather [hbm4b:s3+s21], $0x40, s30, s21, $0xb8;
	[tilespmem:$0x19A40] =	vst v63  }
0xad: {  	_ = 	snop  }
0xae: {  	[tilespmem:s2], [sflag:$0x4] =	stream.indirect.gather [hbm4b:s3+s21], $0x40, s0, s21, $0xb8;
	[tilespmem:$0x19A40] =	vst v63  }
0xaf: {  	_ = 	snop  }
0xb0: {  	[tilespmem:s12], [sflag:$0x4] =	stream.indirect.gather [hbm4b:s3+s21], $0x40, s9, s21, $0xb8;
	[tilespmem:$0x19A40] =	vst v63  }
0xb1: {  	_ =	swait.ge [sflag:s13], $0x3000  }
0xb2: {  	[sflag:s13] =	ssyncset.done $0x0  }
0xb3: {  	[sflag:s13] =	ssyncadd.s32 $0xFFFFD000  }
0xb4: {  	_ =	swait.ge [sflag:s13], $0x3000  }
0xb5: {  	[sflag:s13] =	ssyncset.done $0x0  }
0xb6: {  	[sflag:s13] =	ssyncadd.s32 $0xFFFFD000  }
0xb7: {  	_ =	swait.ge [sflag:s13], $0x3000  }
0xb8: {  	[sflag:s13] =	ssyncset.done $0x0  }
0xb9: {  	[sflag:s13] =	ssyncadd.s32 $0xFFFFD000  }
0xba: {  	_ =	swait.ge [sflag:s13], $0x3000  }
0xbb: {  	[sflag:s13] =	ssyncset.done $0x0  }
0xbc: {  	s5 =	sadd.s32 @!p1 $0x12C, s6;
	s6 =	simm.s32 @!p1 $0x320;
	[sflag:s13] =	ssyncadd.s32 $0xFFFFD000  }
0xbd: {  	[tilespmem:s6], [sflag:$0x2] =	stream.linear.gather @!p1 [hbm4b:s5+s7], $0x320, $0x38;
	[tilespmem:$0x19A40] =	vst v63  }
0xbe: {  	v32 =	vld [tilespmem:$0x19840]  }
0xbf: {  	v33 =	vld [tilespmem:$0x19850]  }
0xc0: {  	v34 =	vld [tilespmem:$0x19860]  }
0xc1: {  	v35 =	vld [tilespmem:$0x19870]  }
0xc2: {  	v36 =	vld [tilespmem:$0x19880]  }
0xc3: {  	v37 =	vld [tilespmem:$0x19890];
	[tilespmem:$0xD040] =	vst v32  }
0xc4: {  	v38 =	vld [tilespmem:$0x198A0];
	[tilespmem:$0xD050] =	vst v33  }
0xc5: {  	v39 =	vld [tilespmem:$0x198B0];
	[tilespmem:$0xD060] =	vst v34  }
0xc6: {  	v40 =	vld [tilespmem:$0x19840];
	[tilespmem:$0xD070] =	vst v35  }
0xc7: {  	v41 =	vld [tilespmem:$0x19850];
	[tilespmem:$0xD080] =	vst v36  }
0xc8: {  	v42 =	vld [tilespmem:$0x19860];
	[tilespmem:$0xD090] =	vst v37  }
0xc9: {  	v43 =	vld [tilespmem:$0x19870];
	[tilespmem:$0xD0A0] =	vst v38  }
0xca: {  	v44 =	vld [tilespmem:$0x19880];
	[tilespmem:$0xD0B0] =	vst v39  }
0xcb: {  	v45 =	vld [tilespmem:$0x19890];
	[tilespmem:$0x10240] =	vst v40  }
0xcc: {  	v46 =	vld [tilespmem:$0x198A0];
	[tilespmem:$0x10250] =	vst v41  }
0xcd: {  	v47 =	vld [tilespmem:$0x198B0];
	[tilespmem:$0x10260] =	vst v42  }
0xce: {  	v48 =	vld [tilespmem:$0x19840];
	[tilespmem:$0x10270] =	vst v43  }
0xcf: {  	v49 =	vld [tilespmem:$0x19850];
	[tilespmem:$0x10280] =	vst v44  }
0xd0: {  	v50 =	vld [tilespmem:$0x19860];
	[tilespmem:$0x10290] =	vst v45  }
0xd1: {  	v51 =	vld [tilespmem:$0x19870];
	[tilespmem:$0x102A0] =	vst v46  }
0xd2: {  	v52 =	vld [tilespmem:$0x19880];
	[tilespmem:$0x102B0] =	vst v47  }
0xd3: {  	v53 =	vld [tilespmem:$0x19890];
	[tilespmem:$0x13440] =	vst v48  }
0xd4: {  	v54 =	vld [tilespmem:$0x198A0];
	[tilespmem:$0x13450] =	vst v49  }
0xd5: {  	v55 =	vld [tilespmem:$0x198B0];
	[tilespmem:$0x13460] =	vst v50  }
0xd6: {  	v56 =	vld [tilespmem:$0x19840];
	[tilespmem:$0x13470] =	vst v51  }
0xd7: {  	v57 =	vld [tilespmem:$0x19850];
	[tilespmem:$0x13480] =	vst v52  }
0xd8: {  	v58 =	vld [tilespmem:$0x19860];
	[tilespmem:$0x13490] =	vst v53  }
0xd9: {  	v59 =	vld [tilespmem:$0x19870];
	[tilespmem:$0x134A0] =	vst v54  }
0xda: {  	v60 =	vld [tilespmem:$0x19880];
	[tilespmem:$0x134B0] =	vst v55  }
0xdb: {  	v61 =	vld [tilespmem:$0x19890];
	[tilespmem:$0x16640] =	vst v56  }
0xdc: {  	v62 =	vld [tilespmem:$0x198A0];
	[tilespmem:$0x16650] =	vst v57  }
0xdd: {  	s19 =	sadd.s32 $0xC8, s19;
	v63 =	vld [tilespmem:$0x198B0];
	[tilespmem:$0x16660] =	vst v58  }
0xde: {  	p0 =	sne.s32 s19, $0xC80;
	[tilespmem:$0x16670] =	vst v59  }
.Ltmp0:
0xdf: {  	[tilespmem:$0x16680] =	vst v60;
	(pc) =	sbr.rel @p0 .LBB2_2-.Ltmp0, $4  }
0xe0: {  	[tilespmem:$0x16690] =	vst v61  }
0xe1: {  	[tilespmem:$0x166A0] =	vst v62  }
0xe2: {  	s18 =	sadd.s32 $0x1900, s8;
	s8 =	sadd.s32 $0x3200, s8;
	[tilespmem:$0x166B0] =	vst v63  }
0xe3: {  	[hbm4b:s18+s1] =	stream.linear.scatter [tilespmem:s15], [sflag:$0x6], $0xC800, $0x38;
	[tilespmem:$0x19A40] =	vst v63  }
0xe4: {  	s5 =	simm.s32 $0x5  }
0xe5: {  	_ =	swait.ge [sflag:s5], $0xC800  }
0xe6: {  	[sflag:s5] =	ssyncset.done $0x0  }
0xe7: {  	s6 =	simm.s32 $0x6;
	[sflag:s5] =	ssyncadd.s32 $0xFFFF3800  }
0xe8: {  	_ =	swait.ge [sflag:s6], $0xC800  }
0xe9: {  	s17 =	sadd.s32 $0x1, s17;
	s19 =	rddreg [dreg:$0x1b]  }
0xea: {  	p0 =	sne.s32 s17, s19  }
.Ltmp1:
0xeb: {  	_ = 	snop;
	(pc) =	sbr.rel @p0 .LBB2_1-.Ltmp1, $3  }
0xec: {  	_ =	sdelay $0x1  }
0xed: {  	[sflag:s6] =	ssyncset.done $0x0  }
0xee: {  	[sflag:s6] =	ssyncadd.s32 $0xFFFF3800  }
0xef: {  	_ =	sfence.sel $0x180000  }
0xf0: {  	[bflag:$0x0] =	sbarrier.arrive $0xFFFF  }
0xf1: {  	_ =	strace $0x90000047  }
0xf2: {  	s0 =	stileid.u32;
	[bflag:$0x2] =	sbarrier.arrive $0xFFFF  }
0xf3: {  	p0 =	sne.s32 s0, $0x0;
	s0 =	rddreg [dreg:$0x2]  }
0xf4: {  	s0 =	sadd.s32 @!p0 $0x100000, s0  }
0xf5: {  	[sflag:s0] =	ssyncadd.tile.s32 @!p0 $0x1;
	_ =	shalt  }
.Lfunc_end2:
_tile_overlayer_lowered:
.L_overlay_start_2:
0xf6: {  	(tag) =	ssettag $0x2  }
0xf7: {  	s0 =	rddreg [dreg:$0x0];
	s2 =	stileid.u32  }
0xf8: {  	s1 =	rddreg [dreg:$0x1];
	p0 =	sne.s32 s2, $0x0  }
0xf9: {  	s3 =	rddreg [dreg:$0x2];
	[bflag:$0x3] =	sbarrier.arrive $0xFFFF;
	s2 =	simm.s32 @!p0 $0x1C07  }
0xfa: {  	[timem:s3], [sflag:s2] =	dma.local @!p0 [hbm:s0], s1  }
0xfb: {  	s0 =	simm.s32 @!p0 $0x7  }
0xfc: {  	_ =	swait.ge @!p0 [sflag:s0], s1  }
0xfd: {  	s1 =	ssub.s32 @!p0 $0x0, s1;
	[sflag:s0] =	ssyncset.done @!p0 $0x0  }
0xfe: {  	[sflag:s0] =	ssyncadd.s32 @!p0 s1  }
0xff: {  	[bflag:$0x3] =	sbarrier.arrive $0xFFFF  }
0x100: {  	_ =	shalt  }

// kernel: sparse-core-data-format-call.cloned.1.call-start
scs
called_computation_lowered:
.L_overlay_start_0:
0x0: {  	s2 =	sld [smem:$0x3FD9]  }
0x1: {  	s3 =	sld [smem:$0x3FFE];
	_ =	sdelay $0x1  }
0x2: {  	s1 =	srdreg.scid  }
0x3: {  	s0 =	sand.u32 $0x1, s1  }
0x4: {  	s18 =	sshll.u32 s0, $0xA;
	s2 =	sadd.s32 s3, s2  }
0x5: {  	s2 =	sadd.s32 s2, s18  }
0x6: {  	[smem:$0x3FC5] =	sst s2  }
0x7: {  	_ = 	snop  }
0x8: {  	s2 =	sld [smem:$0x3FD0];
	(tm) =	ssettm $0x1  }
0x9: {  	s19 =	sld [smem:$0x3FFB];
	_ =	sdelay $0x3  }
0xa: {  	_ =	strace s19  }
0xb: {  	s3 =	sld [smem:$0x3FFC];
	_ =	sdelay $0x3  }
0xc: {  	_ =	strace s3  }
0xd: {  	s3 =	sld [smem:$0x3FFD];
	_ =	sdelay $0x3  }
0xe: {  	_ =	strace s3  }
0xf: {  	_ =	strace $0x8FFFFFFF  }
0x10: {  	s20 =	sld [smem:$0x3FDB];
	_ =	sdelay $0x1  }
0x11: {  	s4 =	simm.s32 $_scs_section_size  }
0x12: {  	s5 =	simm.s32 $_size__tile_overlayer_lowered;
	s6 =	simm.s32 $_tile_overlayer_lowered  }
0x13: {  	s23 =	simm.s32 $0x1BFF;
	s22 =	sshll.u32 s6, $0x1;
	s3 =	sadd.s32 s4, s20  }
0x14: {  	s7 =	simm.s32 $0x0;
	s21 =	sshll.u32 s5, $0x1;
	s5 =	sadd.s32 s22, s3  }
0x15: {  	[timem:s7], [sflag:s23] =	dma.local [hbm:s5], s21  }
0x16: {  	_ =	swait.ge [sflag:s23], s21  }
0x17: {  	s4 =	ssub.s32 $0x0, s21;
	[sflag:s23] =	ssyncset.done $0x0  }
0x18: {  	[sflag:s23] =	ssyncadd.s32 s4;
	_ =	sdelay $0x1  }
0x19: {  	s24 =	simm.s32 $0x1B8B  }
0x1a: {  	_ =	swait.ge [sflag:s24], $0x1  }
0x1b: {  	[sflag:s24] =	ssyncset.done $0x0  }
0x1c: {  	s26 =	simm.s32 $0x1B8E;
	s25 =	sld [smem:$0x3FFE];
	[sflag:s24] =	ssyncadd.s32 $0xFFFFFFFF  }
0x1d: {  	s27 =	simm.s32 $execute0_lowered;
	[smem:$0x3FD2] =	sst s26  }
0x1e: {  	s5 =	sshll.u32 s27, $0x1;
	_ =	strace $0x80000049;
	[dreg:$0x1] =	wrdreg $0xFFFFFFFF  }
0x1f: {  	s28 =	simm.s32 $_size_execute0_lowered;
	s3 =	sadd.s32 s3, s5;
	[dreg:$0x0] =	wrdreg $0x0  }
0x20: {  	s5 =	sshll.u32 s28, $0x1;
	[dreg:$0x2] =	wrdreg s3  }
0x21: {  	[dreg:$0x3] =	wrdreg s5  }
0x22: {  	[dreg:$0x4] =	wrdreg $0xC0  }
0x23: {  	_ =	task [dreg:s7], $0x5FFFF  }
0x24: {  	[dreg:$0x1] =	wrdreg $0xFFFFFFFF  }
0x25: {  	[dreg:$0x0] =	wrdreg $0x60  }
0x26: {  	[dreg:$0x2] =	wrdreg s25  }
0x27: {  	[dreg:$0x3] =	wrdreg s2  }
0x28: {  	[dreg:$0x4] =	wrdreg $0x9  }
0x29: {  	_ =	task.clear_ibuf [dreg:s7], $0x5FFFF;
	_ =	strace $0x90000049  }
0x2a: {  	s29 =	simm.s32 $0x9;
	_ =	strace $0x8000004B  }
0x2b: {  	_ =	swait.ge [sflag:s29], $0x1  }
0x2c: {  	[sflag:s29] =	ssyncadd.s32 $0xFFFFFFFF  }
0x2d: {  	_ =	strace $0x9000004B  }
0x2e: {  	_ =	sfence  }
0x2f: {  	s30 =	sld [smem:$0x0];
	_ =	sdelay $0x2  }
0x30: {  	s31 =	sshll.u32 s1, $0xD;
	s1 =	sshrl.u32 s1, $0x2  }
0x31: {  	s3 =	sand.u32 $0x4000, s31;
	s1 =	sadd.s32 s1, s30  }
0x32: {  	s0 =	sor.u32 s3, s0;
	s1 =	sshll.u32 s1, $0x11  }
0x33: {  	s0 =	sor.u32 s1, s0  }
0x34: {  	s0 =	sadd.s32 $0x8F2B, s0  }
0x35: {  	[sflag:s0] =	ssyncadd.remote.s32 $0x1  }
0x36: {  	_ =	sfence.sel $0xFFFF  }
0x37: {  	[dreg:$0x0] =	wrdreg $0xFFFFFFFF;
	(pc) =	sbr.abs _section_cstart, $3  }
0x38: {  	[dreg:$0x1] =	wrdreg $0xFFFFFFFF  }
0x39: {  	_ =	task.clear_ibuf [dreg:s7], $0x2FFFF;
	_ =	strace $0x9FFFFFFF  }
0x3a: {  	(tm) =	ssettm $0x7FFFFFFF  }
0x3b: {  	_ =	shalt  }
tec
execute0_lowered:
.L_overlay_start_1:
0x0: {  	(tag) =	ssettag $0x1  }
0x1: {  	s0 =	srdreg.scid  }
0x2: {  	s1 =	sshll.u32 s0, $0x4  }
0x3: {  	s0 =	stileid.u32;
	s1 =	sand.u32 $0x10, s1  }
0x4: {  	s1 =	sor.u32 s0, s1  }
0x5: {  	s6 =	rddreg [dreg:$0x0];
	s4 =	simm.s32 $0x1;
	s2 =	sshll.u32 s1, $0x7  }
0x6: {  	s7 =	simm.s32 $0x2;
	s12 =	simm.s32 $0x0;
	s1 =	ssub.s32 $0x1000, s2  }
0x7: {  	s8 =	simm.s32 $0x8000;
	s13 =	simm.s32 $0x0;
	s3 =	sand.u32 $0xF80, s1  }
0x8: {  	s9 =	simm.s32 $0x0;
	s5 =	sshrl.u32 s1, $0xC;
	p0 =	sne.s32 s3, $0x0  }
.Ltmp0:
0x9: {  	s1 =	rddreg [dreg:$0x2];
	s4 =	simm.s32 @!p0 $0x0;
	(pc) =	sbr.rel .LBB1_1-.Ltmp0, $4  }
0xa: {  	s11 =	simm.s32 $0x0;
	s3 =	rddreg [dreg:$0x1];
	s5 =	sadd.s32 s4, s5  }
0xb: {  	_ =	strace $0x8000004A;
	s4 =	simm.s32 $0x1;
	s5 =	smul.u32 $0xC8, s5  }
0xc: {  	s6 =	sadd.s32 $0xC00, s6;
	s10 =	smov.u32 s2;
	[sflag:s4] =	ssyncpa.u1 $0x0  }
0xd: {  	p0 =	por $0x0, $0x0;
	[sflag:s7] =	ssyncpa.u1 $0x0;
	s7 =	sor.u32 $0x1, s5  }
.LBB1_4:
0xe: {  	s16 =	sshll.u32 s13, $0x3;
	s17 =	sand.u32 $0x78, s13  }
0xf: {  	s30 =	sand.u32 $0x7E00, s13;
	s12 =	sshll.u32 s12, $0xF;
	s16 =	sand.u32 $0xC00, s16  }
0x10: {  	[tilespmem:s15+$0x810 ss:$0x81] =	vst.msk $0xffff, v2;
	s31 =	sand.u32 $0x7, s13;
	s16 =	sor.u32 s17, s16;
	s17 =	sadd.s32 s3, s30  }
0x11: {  	[tilespmem:s15+$0x1020 ss:$0x81] =	vst.msk $0xffff, v0;
	s13 =	sshll.u32 s31, $0x12;
	s12 =	sadd.s32 s12, s17;
	s16 =	sshrl.u32 s16, $0x3  }
0x12: {  	[tilespmem:s15+$0x0 ss:$0x81] =	vst.msk $0xffff, v1;
	s13 =	sor.u32 $0x400, s13;
	s12 =	sadd.s32 s16, s12  }
0x13: {  	[hbm4b:s12+s13] =	stream.strided.scatter [tilespmem:s14], [sflag:$0x2], $0x2000, s8, s13, $0x20;
	[tilespmem:$0x8080] =	vst v63  }
.LBB1_5:
0x14: {  	s14 =	sadd.s32 $0x1, s9  }
0x15: {  	s12 =	sadd.s32 $0x1000, s10;
	s16 =	smov.u32 s10;
	p2 =	sgt.s32 s14, $0xC7  }
0x16: {  	s16 =	smov.u32 @p2 s12  }
0x17: {  	s14 =	simm.s32 @p2 $0x0;
	p2 =	sgt.s32 s16, $0xFFF  }
0x18: {  	s16 =	smov.u32 @p2 s2;
	p2 =	sne.s32 s11, s7  }
.Ltmp1:
0x19: {  	p1 =	slt.u32 s11, $0x2;
	(pc) =	sbr.rel @!p2 .LBB1_6-.Ltmp1, $4  }
0x1a: {  	s15 =	simm.s32 @!p1 $0x2  }
0x1b: {  	s13 =	smov.u32 s10;
	p0 =	por !p0, !p0;
	_ =	swait.ge @!p1 [sflag:s15], $0x2000  }
0x1c: {  	s12 =	smov.u32 s9;
	[sflag:s15] =	ssyncset.done @!p1 $0x0;
	s9 =	smov.u32 s14  }
0x1d: {  	s11 =	sadd.s32 $0x1, s11;
	[sflag:s15] =	ssyncadd.s32 @!p1 $0xFFFFE000;
	s10 =	smov.u32 s16  }
.LBB1_1:
0x1e: {  	p1 =	sge.u32 s11, s5  }
0x1f: {  	s14 =	sand.u32 @!p1 $0x1FFFFFF, s9  }
0x20: {  	s15 =	smulhi.u32 @!p1 $0x147AE15, s14;
	_ =	sdelay $0x1  }
0x21: {  	s15 =	smul.u32 @!p1 $0xC8, s15  }
0x22: {  	s16 =	sxor.u32 @!p1 $0xFFFFFFFF, s11;
	s17 =	smul.u32 @!p1 $0xC80, s10  }
0x23: {  	s31 =	sadd.s32 $0xFFFFFFFF, s11;
	s16 =	sshll.u32 @!p1 s16, $0xD;
	s14 =	ssub.s32 @!p1 s14, s15  }
0x24: {  	s15 =	sand.u32 @!p1 $0x2000, s16;
	s16 =	sadd.s32 @!p1 s6, s17;
	s14 =	sshll.u32 @!p1 s14, $0x4  }
0x25: {  	s17 =	simm.s32 @!p1 $0x6400;
	s14 =	sadd.s32 @!p1 s14, s16;
	s16 =	simm.s32 @!p1 $0x40  }
0x26: {  	[tilespmem:s15], [sflag:$0x1] =	stream.strided.gather @!p1 [hbm4b:s14+s16], $0x2000, s17, s16, $0x38;
	[tilespmem:$0x8080] =	vst v63  }
0x27: {  	p1 =	sge.u32 s31, s5  }
.Ltmp2:
0x28: {  	_ = 	snop;
	(pc) =	sbr.rel @p1 .LBB1_5-.Ltmp2, $1  }
0x29: {  	_ =	sdelay $0x3  }
0x2a: {  	s14 =	simm.s32 $0x1  }
0x2b: {  	_ =	swait.ge [sflag:s4], $0x2000;
	s14 =	simm.s32 @!p0 $0x0  }
0x2c: {  	[sflag:s4] =	ssyncset.done $0x0;
	s15 =	sshll.u32 s14, $0xD  }
0x2d: {  	[sflag:s4] =	ssyncadd.s32 $0xFFFFE000;
	s18 =	sor.u32 $0x20, s15  }
0x2e: {  	s14 =	smul.u32 $0x8100, s14;
	v3 =	vld [tilespmem:s18+$0x10]  }
0x2f: {  	s30 =	sand.u32 $0x1, s11;
	v2 =	vld [tilespmem:s18+$0xFFFFFFF0]  }
0x30: {  	s15 =	smul.u32 $0x8100, s30;
	s14 =	sshrl.u32 s14, $0x2;
	v0 =	vld [tilespmem:s18+$0x0]  }
0x31: {  	v1 =	vld [tilespmem:s18+$0xFFFFFFE0];
	s16 =	sor.u32 $0x4000, s14  }
0x32: {  	s31 =	sshrl.u32 s15, $0x2;
	s15 =	sadd.s32 $0x0, s16  }
0x33: {  	s17 =	simm.s32 $0x4;
	s18 =	sadd.s32 $0x40, s18;
	s14 =	sor.u32 $0x4000, s31;
	[tilespmem:s15+$0x1830 ss:$0x81] =	vst.msk $0xffff, v3  }
.LBB1_3:
0x34: {  	v3 =	vld [tilespmem:s18+$0x10];
	p1 =	sne.s32 s17, $0x1FC;
	[tilespmem:s15+$0x810 ss:$0x81] =	vst.msk $0xffff, v2;
	s19 =	smov.u32 s17;
	s17 =	sadd.s32 $0x4, s17  }
.Ltmp3:
0x35: {  	v2 =	vld [tilespmem:s18+$0xFFFFFFF0];
	[tilespmem:s15+$0x1020 ss:$0x81] =	vst.msk $0xffff, v0;
	(pc) =	sbr.rel @p1 .LBB1_3-.Ltmp3, $4  }
0x36: {  	v0 =	vld [tilespmem:s18+$0x0];
	[tilespmem:s15+$0x0 ss:$0x81] =	vst.msk $0xffff, v1  }
0x37: {  	s15 =	sshra.s32 s19, $0x2;
	v1 =	vld [tilespmem:s18+$0xFFFFFFE0]  }
0x38: {  	s15 =	sadd.s32 s15, s16  }
0x39: {  	s18 =	sadd.s32 $0x40, s18;
	[tilespmem:s15+$0x1830 ss:$0x81] =	vst.msk $0xffff, v3  }
.Ltmp4:
0x3a: {  	_ = 	snop;
	(pc) =	sbr.rel .LBB1_4-.Ltmp4, $1  }
0x3b: {  	_ =	sdelay $0x3  }
.LBB1_6:
0x3c: {  	_ =	sfence.sel $0x180000  }
0x3d: {  	s2 =	simm.s32 $0x1;
	[bflag:$0x0] =	sbarrier.arrive $0xFFFF  }
0x3e: {  	s31 =	simm.s32 $0x2;
	[sflag:s2] =	ssyncpa.u1 $0x1  }
0x3f: {  	[sflag:s31] =	ssyncpa.u1 $0x1  }
0x40: {  	p0 =	sne.s32 s0, $0x0;
	_ =	strace $0x9000004A  }
0x41: {  	s0 =	sadd.s32 @!p0 $0x100000, s1;
	[bflag:$0x2] =	sbarrier.arrive $0xFFFF  }
0x42: {  	[sflag:s0] =	ssyncadd.tile.s32 @!p0 $0x1;
	_ =	shalt  }
.Lfunc_end1:
_tile_overlayer_lowered:
.L_overlay_start_2:
0x43: {  	(tag) =	ssettag $0x2  }
0x44: {  	s0 =	rddreg [dreg:$0x0];
	s2 =	stileid.u32  }
0x45: {  	s1 =	rddreg [dreg:$0x1];
	p0 =	sne.s32 s2, $0x0  }
0x46: {  	s3 =	rddreg [dreg:$0x2];
	[bflag:$0x3] =	sbarrier.arrive $0xFFFF;
	s2 =	simm.s32 @!p0 $0x1C01  }
0x47: {  	[timem:s3], [sflag:s2] =	dma.local @!p0 [hbm:s0], s1  }
0x48: {  	s0 =	simm.s32 @!p0 $0x1  }
0x49: {  	_ =	swait.ge @!p0 [sflag:s0], s1  }
0x4a: {  	s1 =	ssub.s32 @!p0 $0x0, s1;
	[sflag:s0] =	ssyncset.done @!p0 $0x0  }
0x4b: {  	[sflag:s0] =	ssyncadd.s32 @!p0 s1  }
0x4c: {  	[bflag:$0x3] =	sbarrier.arrive $0xFFFF  }
0x4d: {  	_ =	shalt  }

</sc_bundles>
